<compile_context>
chip_gen: v7x
topology: tpu7x:2x2x1
jax: 0.10.2.dev20260603
libtpu: 0.0.44.dev20260713+nightly
codegen_flags: <defaults>
</compile_context>

<pallas_src>
import functools

import jax
import jax.numpy as jnp
from jax import lax
from jax.experimental import pallas as pl
from jax.experimental.pallas import tpu as pltpu
from jax.experimental.pallas import tpu_sc as plsc

_V = 26
_C = 16
_S = 100000
_B = 4096
_ROWS = _V * _C
_NC = 2
_NS = 16
_NW = _NC * _NS
_RPW = _ROWS // _NW
_LANES = 16
_TINY = 1.1754943508222875e-38
_LN2 = 0.6931471805599453

_P5 = 0.04392862784795105
_P4 = -0.409475585766429
_P3 = 1.610177546896671
_P2 = -3.520218838145311
_P1 = 5.0697563166331205
_P0 = -2.7941536765360095


_H0 = 50048
_H1 = _S - _H0


def _sc_body(
    xt_hbm, w2d_hbm, w_hbm, si_hbm, xcol, rowa, rowb, gbuf, wbuf, sibuf,
    rsem, osem
):
    wid = lax.axis_index("s") * _NC + lax.axis_index("c")
    row0 = wid * _RPW

    _Q0 = 25088
    _Q1 = 24960

    def fire0(row):
        pltpu.async_copy(
            w2d_hbm.at[row].at[pl.ds(0, _Q0)], rowa.at[pl.ds(0, _Q0)], rsem
        )
        pltpu.async_copy(
            w2d_hbm.at[row].at[pl.ds(_Q0, _H0 - _Q0)],
            rowa.at[pl.ds(_Q0, _H0 - _Q0)],
            rsem,
        )

    def wait0(row):
        pltpu.make_async_copy(
            w2d_hbm.at[row].at[pl.ds(0, _Q0)], rowa.at[pl.ds(0, _Q0)], rsem
        ).wait()
        pltpu.make_async_copy(
            w2d_hbm.at[row].at[pl.ds(_Q0, _H0 - _Q0)],
            rowa.at[pl.ds(_Q0, _H0 - _Q0)],
            rsem,
        ).wait()

    def fire1(row):
        pltpu.async_copy(w2d_hbm.at[row].at[pl.ds(_H0, _H1)], rowb, rsem)

    def wait1(row):
        pltpu.make_async_copy(
            w2d_hbm.at[row].at[pl.ds(_H0, _H1)], rowb, rsem
        ).wait()

    pltpu.sync_copy(xt_hbm.at[row0 // _C], xcol)
    fire0(row0)

    def row_body(r, vprev):
        row = row0 + r
        p_ = r % 2

        wait0(row)
        fire1(row)

        @plsc.parallel_loop(0, _B // _LANES, unroll=16)
        def body0(j):
            sl = pl.ds(j * _LANES, _LANES)
            s = xcol[sl]
            sc_ = jnp.minimum(s, _H0 - 1)
            gbuf[sl] = plsc.load_gather(rowa, [sc_])

        wait1(row)

        @pl.when(r < _RPW - 1)
        def _():
            fire0(row + 1)

        @pl.when(r >= 2)
        def _():
            pltpu.make_async_copy(wbuf.at[p_], w_hbm.at[row - 2], osem).wait()
            pltpu.make_async_copy(sibuf.at[p_], si_hbm.at[row - 2], osem).wait()

        @plsc.parallel_loop(0, _B // _LANES, unroll=8)
        def body1(j):
            sl = pl.ds(j * _LANES, _LANES)
            s = xcol[sl]
            hi = s >= _H0
            sc_ = jnp.clip(s - _H0, 0, _H1 - 1)
            g1 = plsc.load_gather(rowb, [sc_])
            g = jnp.where(hi, g1, gbuf[sl])
            gb = plsc.bitcast(g, jnp.int32)
            sgn = plsc.bitcast(
                (gb & jnp.int32(-2147483648)) | 0x3F800000, jnp.float32
            )
            si = jnp.where(g == 0, jnp.float32(0.0), sgn)
            a = jnp.maximum(jnp.abs(g), _TINY)
            bi = plsc.bitcast(a, jnp.int32)
            e = (bi >> 23) - 127
            m = plsc.bitcast(
                (bi & 0x007FFFFF) | 0x3F800000, jnp.float32
            )
            p = _P5 * m + _P4
            p = p * m + _P3
            p = p * m + _P2
            p = p * m + _P1
            p = p * m + _P0
            w = (e.astype(jnp.float32) + p) * _LN2
            wbuf[p_, sl] = w
            sibuf[p_, sl] = si

        pltpu.async_copy(wbuf.at[p_], w_hbm.at[row], osem)
        pltpu.async_copy(sibuf.at[p_], si_hbm.at[row], osem)

        nv = (row + 1) // _C
        @pl.when(nv != vprev)
        def _():
            pltpu.sync_copy(xt_hbm.at[jnp.minimum(nv, _V - 1)], xcol)

        return nv

    lax.fori_loop(0, _RPW, row_body, row0 // _C)

    last = row0 + _RPW - 1
    pltpu.make_async_copy(wbuf.at[(_RPW - 2) % 2], w_hbm.at[last - 1], osem).wait()
    pltpu.make_async_copy(sibuf.at[(_RPW - 2) % 2], si_hbm.at[last - 1], osem).wait()
    pltpu.make_async_copy(wbuf.at[(_RPW - 1) % 2], w_hbm.at[last], osem).wait()
    pltpu.make_async_copy(sibuf.at[(_RPW - 1) % 2], si_hbm.at[last], osem).wait()


_sc_lookup = functools.partial(
    pl.kernel,
    out_type=(
        jax.ShapeDtypeStruct((_ROWS, _B), jnp.float32),
        jax.ShapeDtypeStruct((_ROWS, _B), jnp.float32),
    ),
    mesh=plsc.VectorSubcoreMesh(core_axis_name="c", subcore_axis_name="s"),
    scratch_types=[
        pltpu.VMEM((_B,), jnp.int32),
        pltpu.VMEM((_H0,), jnp.float32),
        pltpu.VMEM((_H1,), jnp.float32),
        pltpu.VMEM((_B,), jnp.float32),
        pltpu.VMEM((2, _B), jnp.float32),
        pltpu.VMEM((2, _B), jnp.float32),
        pltpu.SemaphoreType.DMA,
        pltpu.SemaphoreType.DMA,
    ],
    compiler_params=pltpu.CompilerParams(needs_layout_passes=False),
)(_sc_body)


def kernel(x, weight):
    xt = x.T
    w2d = weight.reshape(_ROWS, _S)
    w, si = _sc_lookup(xt, w2d)
    w = w.T.reshape(_B, _V, 1, _C)
    si = si.T.reshape(_B, _V, 1, _C)
    return (w, si)

# --- scband reference (transcript-rebuilt; emitter-appended) ---
"""Pipeline reference for scband-born-embeddings-62869731279551 (READ-ONLY COPY).

The authoritative reference and input builder live on the scoring server;
editing this copy changes nothing except your own understanding.
"""

import jax, jax.numpy as jnp
import numpy as np

V = 26      # num_variables
R = 1       # num_replicas
C = 16      # num_components
S = 100000  # num_states (> 256, so gather path, not one-hot einsum)
B = 4096    # batch
TINY = float(np.finfo(np.float32).tiny)


def safelog(x):
    # log with clamp to smallest positive normal float (faithful to common safelog impls)
    return jnp.log(jnp.clip(x, TINY, None))


def setup_inputs(seed: int = 0) -> dict:
    key = jax.random.key(seed)
    k1, k2 = jax.random.split(key)
    x = jax.random.randint(k1, (B, V), 0, S, dtype=jnp.int32)
    # learned parameter: weight[V, R, C, S], normal init with scale 1.0
    weight = jax.random.normal(k2, (V, R, C, S), dtype=jnp.float32) * 1.0
    return {"x": x, "weight": weight}


def reference(x, weight):
    # exp_reparam=False, l2norm=False -> use weight directly
    # num_states > 256 -> self._ohe is False -> gather (embedding lookup) path
    wp = jnp.transpose(weight, (0, 3, 1, 2))  # [V, S, R, C]
    # torch: weight[torch.arange(V), x] with x: [B, V] -> broadcast advanced indexing -> [B, V, R, C]
    w = wp[jnp.arange(V), x]                   # [B, V, R, C]
    w_si = jnp.sign(jax.lax.stop_gradient(w))
    w = safelog(jnp.abs(w))
    return (w, w_si)

if __name__ == "__main__":
    import jax
    _d = setup_inputs()
    print(jax.jit(kernel)(*tuple(_d.values())))

</pallas_src>

<mosaic_0001>
#map = affine_map<(d0, d1) -> (0, 0)>
module attributes {stable_mosaic.version = 14 : i64} {
  func.func @_sc_body(%arg0: i32, %arg1: i32, %arg2: memref<26x4096xi32, #tpu.memory_space<hbm>>, %arg3: memref<416x100000xf32, #tpu.memory_space<hbm>>, %arg4: memref<416x4096xf32, #tpu.memory_space<hbm>>, %arg5: memref<416x4096xf32, #tpu.memory_space<hbm>>, %arg6: memref<4096xi32, #tpu.memory_space<vmem>>, %arg7: memref<50048xf32, #tpu.memory_space<vmem>>, %arg8: memref<49952xf32, #tpu.memory_space<vmem>>, %arg9: memref<4096xf32, #tpu.memory_space<vmem>>, %arg10: memref<2x4096xf32, #tpu.memory_space<vmem>>, %arg11: memref<2x4096xf32, #tpu.memory_space<vmem>>, %arg12: memref<!tpu.dma_semaphore, #tpu.memory_space<semaphore_mem>>, %arg13: memref<!tpu.dma_semaphore, #tpu.memory_space<semaphore_mem>>) attributes {dimension_semantics = [#tpu.dimension_semantics<core_parallel>, #tpu.dimension_semantics<subcore_parallel>], iteration_bounds = array<i64: 2, 16>, scalar_prefetch = 0 : i64, scratch_operands = 8 : i64, tpu.core_type = #tpu.core_type<sc_vector_subcore>, window_params = [{transform_indices = #map}, {transform_indices = #map}, {transform_indices = #map}, {transform_indices = #map}]} {
    %mul3A = arith.constant 2 : i32
    %mul3A_0 = arith.muli %arg1, %mul3A : i32
    %add3A = arith.addi %mul3A_0, %arg0 : i32
    %mul3A_1 = arith.constant 13 : i32
    %mul3A_2 = arith.muli %add3A, %mul3A_1 : i32
    %jit3A = arith.constant 16 : i32
    %div3A = arith.divsi %mul3A_2, %jit3A : i32
    %sign3A = arith.constant 0 : i32
    %sign3A_3 = arith.cmpi sgt, %mul3A_2, %sign3A : i32
    %sign3A_4 = arith.extui %sign3A_3 : i1 to i32
    %sign3A_5 = arith.constant 0 : i32
    %sign3A_6 = arith.cmpi slt, %mul3A_2, %sign3A_5 : i32
    %sign3A_7 = arith.extui %sign3A_6 : i1 to i32
    %sign3A_8 = arith.subi %sign3A_4, %sign3A_7 : i32
    %sign3A_9 = arith.constant 0 : i32
    %sign3A_10 = arith.cmpi sgt, %jit3A, %sign3A_9 : i32
    %sign3A_11 = arith.extui %sign3A_10 : i1 to i32
    %sign3A_12 = arith.constant 0 : i32
    %sign3A_13 = arith.cmpi slt, %jit3A, %sign3A_12 : i32
    %sign3A_14 = arith.extui %sign3A_13 : i1 to i32
    %sign3A_15 = arith.subi %sign3A_11, %sign3A_14 : i32
    %ne3A = arith.cmpi ne, %sign3A_8, %sign3A_15 : i32
    %rem3A = arith.remsi %mul3A_2, %jit3A : i32
    %ne3A_16 = arith.constant 0 : i32
    %ne3A_17 = arith.cmpi ne, %rem3A, %ne3A_16 : i32
    %and3A = arith.andi %ne3A, %ne3A_17 : i1
    %sub3A = arith.constant 1 : i32
    %sub3A_18 = arith.subi %div3A, %sub3A : i32
    %select_n3A = arith.select %and3A, %sub3A_18, %div3A : i32
    "tpu.region"() ({
      %run_scoped3A = tpu.sem_alloc : memref<!tpu.dma_semaphore, #tpu.memory_space<semaphore_mem>>
      %dma_start3A_134 = arith.constant 0 : i32
      %dma_start3A_135 = tpu.memref_slice %arg2[%select_n3A, %dma_start3A_134] : memref<26x4096xi32, #tpu.memory_space<hbm>> -> memref<1x4096xi32, #tpu.memory_space<hbm>>
      %dma_start3A_136 = tpu.memref_squeeze %dma_start3A_135 : memref<1x4096xi32, #tpu.memory_space<hbm>> -> memref<4096xi32, #tpu.memory_space<hbm>>
      %dma_start3A_137 = arith.constant 0 : i32
      %dma_start3A_138 = tpu.memref_slice %arg2[%select_n3A, %dma_start3A_137] : memref<26x4096xi32, #tpu.memory_space<hbm>> -> memref<1x4096xi32, #tpu.memory_space<hbm>>
      %dma_start3A_139 = tpu.memref_squeeze %dma_start3A_138 : memref<1x4096xi32, #tpu.memory_space<hbm>> -> memref<4096xi32, #tpu.memory_space<hbm>>
      tpu.enqueue_dma source(%dma_start3A_139 : memref<4096xi32, #tpu.memory_space<hbm>>) target(%arg6 : memref<4096xi32, #tpu.memory_space<vmem>>) target_semaphore(%run_scoped3A : memref<!tpu.dma_semaphore, #tpu.memory_space<semaphore_mem>>)
      %dma_wait3A_140 = arith.constant 0 : i32
      %dma_wait3A_141 = tpu.memref_slice %arg2[%select_n3A, %dma_wait3A_140] : memref<26x4096xi32, #tpu.memory_space<hbm>> -> memref<1x4096xi32, #tpu.memory_space<hbm>>
      %dma_wait3A_142 = tpu.memref_squeeze %dma_wait3A_141 : memref<1x4096xi32, #tpu.memory_space<hbm>> -> memref<4096xi32, #tpu.memory_space<hbm>>
      %dma_wait3A_143 = arith.constant 0 : i32
      %dma_wait3A_144 = tpu.memref_slice %arg2[%select_n3A, %dma_wait3A_143] : memref<26x4096xi32, #tpu.memory_space<hbm>> -> memref<1x4096xi32, #tpu.memory_space<hbm>>
      %dma_wait3A_145 = tpu.memref_squeeze %dma_wait3A_144 : memref<1x4096xi32, #tpu.memory_space<hbm>> -> memref<4096xi32, #tpu.memory_space<hbm>>
      tpu.wait_dma2 semaphore(%run_scoped3A : memref<!tpu.dma_semaphore, #tpu.memory_space<semaphore_mem>>) src(%dma_wait3A_145 : memref<4096xi32, #tpu.memory_space<hbm>>) dst(%arg6 : memref<4096xi32, #tpu.memory_space<vmem>>)
      tpu.yield
    }) : () -> ()
    %dma_start3A = arith.constant 0 : i32
    %dma_start3A_19 = tpu.memref_slice %arg7[%dma_start3A] : memref<50048xf32, #tpu.memory_space<vmem>> -> memref<25088xf32, #tpu.memory_space<vmem>>
    %dma_start3A_20 = arith.constant 0 : i32
    %dma_start3A_21 = tpu.memref_slice %arg3[%mul3A_2, %dma_start3A_20] : memref<416x100000xf32, #tpu.memory_space<hbm>> -> memref<1x100000xf32, #tpu.memory_space<hbm>>
    %dma_start3A_22 = tpu.memref_squeeze %dma_start3A_21 : memref<1x100000xf32, #tpu.memory_space<hbm>> -> memref<100000xf32, #tpu.memory_space<hbm>>
    %dma_start3A_23 = arith.constant 0 : i32
    %dma_start3A_24 = tpu.memref_slice %dma_start3A_22[%dma_start3A_23] : memref<100000xf32, #tpu.memory_space<hbm>> -> memref<25088xf32, #tpu.memory_space<hbm>>
    %dma_start3A_25 = arith.constant 0 : i32
    %dma_start3A_26 = tpu.memref_slice %arg7[%dma_start3A_25] : memref<50048xf32, #tpu.memory_space<vmem>> -> memref<25088xf32, #tpu.memory_space<vmem>>
    %dma_start3A_27 = arith.constant 0 : i32
    %dma_start3A_28 = tpu.memref_slice %arg3[%mul3A_2, %dma_start3A_27] : memref<416x100000xf32, #tpu.memory_space<hbm>> -> memref<1x100000xf32, #tpu.memory_space<hbm>>
    %dma_start3A_29 = tpu.memref_squeeze %dma_start3A_28 : memref<1x100000xf32, #tpu.memory_space<hbm>> -> memref<100000xf32, #tpu.memory_space<hbm>>
    %dma_start3A_30 = arith.constant 0 : i32
    %dma_start3A_31 = tpu.memref_slice %dma_start3A_29[%dma_start3A_30] : memref<100000xf32, #tpu.memory_space<hbm>> -> memref<25088xf32, #tpu.memory_space<hbm>>
    tpu.enqueue_dma source(%dma_start3A_31 : memref<25088xf32, #tpu.memory_space<hbm>>) target(%dma_start3A_26 : memref<25088xf32, #tpu.memory_space<vmem>>) target_semaphore(%arg12 : memref<!tpu.dma_semaphore, #tpu.memory_space<semaphore_mem>>)
    %dma_start3A_32 = arith.constant 25088 : i32
    %dma_start3A_33 = tpu.memref_slice %arg7[%dma_start3A_32] : memref<50048xf32, #tpu.memory_space<vmem>> -> memref<24960xf32, #tpu.memory_space<vmem>>
    %dma_start3A_34 = arith.constant 0 : i32
    %dma_start3A_35 = tpu.memref_slice %arg3[%mul3A_2, %dma_start3A_34] : memref<416x100000xf32, #tpu.memory_space<hbm>> -> memref<1x100000xf32, #tpu.memory_space<hbm>>
    %dma_start3A_36 = tpu.memref_squeeze %dma_start3A_35 : memref<1x100000xf32, #tpu.memory_space<hbm>> -> memref<100000xf32, #tpu.memory_space<hbm>>
    %dma_start3A_37 = arith.constant 25088 : i32
    %dma_start3A_38 = tpu.memref_slice %dma_start3A_36[%dma_start3A_37] : memref<100000xf32, #tpu.memory_space<hbm>> -> memref<24960xf32, #tpu.memory_space<hbm>>
    %dma_start3A_39 = arith.constant 25088 : i32
    %dma_start3A_40 = tpu.memref_slice %arg7[%dma_start3A_39] : memref<50048xf32, #tpu.memory_space<vmem>> -> memref<24960xf32, #tpu.memory_space<vmem>>
    %dma_start3A_41 = arith.constant 0 : i32
    %dma_start3A_42 = tpu.memref_slice %arg3[%mul3A_2, %dma_start3A_41] : memref<416x100000xf32, #tpu.memory_space<hbm>> -> memref<1x100000xf32, #tpu.memory_space<hbm>>
    %dma_start3A_43 = tpu.memref_squeeze %dma_start3A_42 : memref<1x100000xf32, #tpu.memory_space<hbm>> -> memref<100000xf32, #tpu.memory_space<hbm>>
    %dma_start3A_44 = arith.constant 25088 : i32
    %dma_start3A_45 = tpu.memref_slice %dma_start3A_43[%dma_start3A_44] : memref<100000xf32, #tpu.memory_space<hbm>> -> memref<24960xf32, #tpu.memory_space<hbm>>
    tpu.enqueue_dma source(%dma_start3A_45 : memref<24960xf32, #tpu.memory_space<hbm>>) target(%dma_start3A_40 : memref<24960xf32, #tpu.memory_space<vmem>>) target_semaphore(%arg12 : memref<!tpu.dma_semaphore, #tpu.memory_space<semaphore_mem>>)
    %jit3A_46 = arith.constant 16 : i32
    %div3A_47 = arith.divsi %mul3A_2, %jit3A_46 : i32
    %sign3A_48 = arith.constant 0 : i32
    %sign3A_49 = arith.cmpi sgt, %mul3A_2, %sign3A_48 : i32
    %sign3A_50 = arith.extui %sign3A_49 : i1 to i32
    %sign3A_51 = arith.constant 0 : i32
    %sign3A_52 = arith.cmpi slt, %mul3A_2, %sign3A_51 : i32
    %sign3A_53 = arith.extui %sign3A_52 : i1 to i32
    %sign3A_54 = arith.subi %sign3A_50, %sign3A_53 : i32
    %sign3A_55 = arith.constant 0 : i32
    %sign3A_56 = arith.cmpi sgt, %jit3A_46, %sign3A_55 : i32
    %sign3A_57 = arith.extui %sign3A_56 : i1 to i32
    %sign3A_58 = arith.constant 0 : i32
    %sign3A_59 = arith.cmpi slt, %jit3A_46, %sign3A_58 : i32
    %sign3A_60 = arith.extui %sign3A_59 : i1 to i32
    %sign3A_61 = arith.subi %sign3A_57, %sign3A_60 : i32
    %ne3A_62 = arith.cmpi ne, %sign3A_54, %sign3A_61 : i32
    %rem3A_63 = arith.remsi %mul3A_2, %jit3A_46 : i32
    %ne3A_64 = arith.constant 0 : i32
    %ne3A_65 = arith.cmpi ne, %rem3A_63, %ne3A_64 : i32
    %and3A_66 = arith.andi %ne3A_62, %ne3A_65 : i1
    %sub3A_67 = arith.constant 1 : i32
    %sub3A_68 = arith.subi %div3A_47, %sub3A_67 : i32
    %select_n3A_69 = arith.select %and3A_66, %sub3A_68, %div3A_47 : i32
    %scan3A = arith.constant 0 : i32
    %scan3A_70 = arith.constant 13 : i32
    %scan3A_71 = arith.addi %scan3A, %scan3A_70 : i32
    %scan3A_72 = arith.constant 1 : i32
    %scan3A_73 = scf.for %scan3A_134 = %scan3A to %scan3A_71 step %scan3A_72 iter_args(%scan3A_135 = %select_n3A_69) -> (i32)  : i32 {
      %add3A_136 = arith.addi %mul3A_2, %scan3A_134 : i32
      %jit3A_137 = arith.constant 2 : i32
      %eq3A = arith.constant 0 : i32
      %eq3A_138 = arith.cmpi eq, %jit3A_137, %eq3A : i32
      %jit3A_139 = arith.constant 1 : i32
      %select_n3A_140 = arith.select %eq3A_138, %jit3A_139, %jit3A_137 : i32
      %rem3A_141 = arith.remsi %scan3A_134, %select_n3A_140 : i32
      %ne3A_142 = arith.constant 0 : i32
      %ne3A_143 = arith.cmpi ne, %rem3A_141, %ne3A_142 : i32
      %lt3A = arith.constant 0 : i32
      %lt3A_144 = arith.cmpi slt, %rem3A_141, %lt3A : i32
      %lt3A_145 = arith.constant 0 : i32
      %lt3A_146 = arith.cmpi slt, %select_n3A_140, %lt3A_145 : i32
      %ne3A_147 = arith.xori %lt3A_144, %lt3A_146 : i1
      %and3A_148 = arith.andi %ne3A_147, %ne3A_143 : i1
      %add3A_149 = arith.addi %rem3A_141, %select_n3A_140 : i32
      %select_n3A_150 = arith.select %and3A_148, %add3A_149, %rem3A_141 : i32
      %dma_wait3A_151 = arith.constant 0 : i32
      %dma_wait3A_152 = tpu.memref_slice %arg7[%dma_wait3A_151] : memref<50048xf32, #tpu.memory_space<vmem>> -> memref<25088xf32, #tpu.memory_space<vmem>>
      %dma_wait3A_153 = arith.constant 0 : i32
      %dma_wait3A_154 = tpu.memref_slice %arg3[%add3A_136, %dma_wait3A_153] : memref<416x100000xf32, #tpu.memory_space<hbm>> -> memref<1x100000xf32, #tpu.memory_space<hbm>>
      %dma_wait3A_155 = tpu.memref_squeeze %dma_wait3A_154 : memref<1x100000xf32, #tpu.memory_space<hbm>> -> memref<100000xf32, #tpu.memory_space<hbm>>
      %dma_wait3A_156 = arith.constant 0 : i32
      %dma_wait3A_157 = tpu.memref_slice %dma_wait3A_155[%dma_wait3A_156] : memref<100000xf32, #tpu.memory_space<hbm>> -> memref<25088xf32, #tpu.memory_space<hbm>>
      %dma_wait3A_158 = arith.constant 0 : i32
      %dma_wait3A_159 = tpu.memref_slice %arg7[%dma_wait3A_158] : memref<50048xf32, #tpu.memory_space<vmem>> -> memref<25088xf32, #tpu.memory_space<vmem>>
      %dma_wait3A_160 = arith.constant 0 : i32
      %dma_wait3A_161 = tpu.memref_slice %arg3[%add3A_136, %dma_wait3A_160] : memref<416x100000xf32, #tpu.memory_space<hbm>> -> memref<1x100000xf32, #tpu.memory_space<hbm>>
      %dma_wait3A_162 = tpu.memref_squeeze %dma_wait3A_161 : memref<1x100000xf32, #tpu.memory_space<hbm>> -> memref<100000xf32, #tpu.memory_space<hbm>>
      %dma_wait3A_163 = arith.constant 0 : i32
      %dma_wait3A_164 = tpu.memref_slice %dma_wait3A_162[%dma_wait3A_163] : memref<100000xf32, #tpu.memory_space<hbm>> -> memref<25088xf32, #tpu.memory_space<hbm>>
      tpu.wait_dma2 semaphore(%arg12 : memref<!tpu.dma_semaphore, #tpu.memory_space<semaphore_mem>>) src(%dma_wait3A_164 : memref<25088xf32, #tpu.memory_space<hbm>>) dst(%dma_wait3A_159 : memref<25088xf32, #tpu.memory_space<vmem>>)
      %dma_wait3A_165 = arith.constant 25088 : i32
      %dma_wait3A_166 = tpu.memref_slice %arg7[%dma_wait3A_165] : memref<50048xf32, #tpu.memory_space<vmem>> -> memref<24960xf32, #tpu.memory_space<vmem>>
      %dma_wait3A_167 = arith.constant 0 : i32
      %dma_wait3A_168 = tpu.memref_slice %arg3[%add3A_136, %dma_wait3A_167] : memref<416x100000xf32, #tpu.memory_space<hbm>> -> memref<1x100000xf32, #tpu.memory_space<hbm>>
      %dma_wait3A_169 = tpu.memref_squeeze %dma_wait3A_168 : memref<1x100000xf32, #tpu.memory_space<hbm>> -> memref<100000xf32, #tpu.memory_space<hbm>>
      %dma_wait3A_170 = arith.constant 25088 : i32
      %dma_wait3A_171 = tpu.memref_slice %dma_wait3A_169[%dma_wait3A_170] : memref<100000xf32, #tpu.memory_space<hbm>> -> memref<24960xf32, #tpu.memory_space<hbm>>
      %dma_wait3A_172 = arith.constant 25088 : i32
      %dma_wait3A_173 = tpu.memref_slice %arg7[%dma_wait3A_172] : memref<50048xf32, #tpu.memory_space<vmem>> -> memref<24960xf32, #tpu.memory_space<vmem>>
      %dma_wait3A_174 = arith.constant 0 : i32
      %dma_wait3A_175 = tpu.memref_slice %arg3[%add3A_136, %dma_wait3A_174] : memref<416x100000xf32, #tpu.memory_space<hbm>> -> memref<1x100000xf32, #tpu.memory_space<hbm>>
      %dma_wait3A_176 = tpu.memref_squeeze %dma_wait3A_175 : memref<1x100000xf32, #tpu.memory_space<hbm>> -> memref<100000xf32, #tpu.memory_space<hbm>>
      %dma_wait3A_177 = arith.constant 25088 : i32
      %dma_wait3A_178 = tpu.memref_slice %dma_wait3A_176[%dma_wait3A_177] : memref<100000xf32, #tpu.memory_space<hbm>> -> memref<24960xf32, #tpu.memory_space<hbm>>
      tpu.wait_dma2 semaphore(%arg12 : memref<!tpu.dma_semaphore, #tpu.memory_space<semaphore_mem>>) src(%dma_wait3A_178 : memref<24960xf32, #tpu.memory_space<hbm>>) dst(%dma_wait3A_173 : memref<24960xf32, #tpu.memory_space<vmem>>)
      %dma_start3A_179 = arith.constant 0 : i32
      %dma_start3A_180 = tpu.memref_slice %arg3[%add3A_136, %dma_start3A_179] : memref<416x100000xf32, #tpu.memory_space<hbm>> -> memref<1x100000xf32, #tpu.memory_space<hbm>>
      %dma_start3A_181 = tpu.memref_squeeze %dma_start3A_180 : memref<1x100000xf32, #tpu.memory_space<hbm>> -> memref<100000xf32, #tpu.memory_space<hbm>>
      %dma_start3A_182 = arith.constant 50048 : i32
      %dma_start3A_183 = tpu.memref_slice %dma_start3A_181[%dma_start3A_182] : memref<100000xf32, #tpu.memory_space<hbm>> -> memref<49952xf32, #tpu.memory_space<hbm>>
      %dma_start3A_184 = arith.constant 0 : i32
      %dma_start3A_185 = tpu.memref_slice %arg3[%add3A_136, %dma_start3A_184] : memref<416x100000xf32, #tpu.memory_space<hbm>> -> memref<1x100000xf32, #tpu.memory_space<hbm>>
      %dma_start3A_186 = tpu.memref_squeeze %dma_start3A_185 : memref<1x100000xf32, #tpu.memory_space<hbm>> -> memref<100000xf32, #tpu.memory_space<hbm>>
      %dma_start3A_187 = arith.constant 50048 : i32
      %dma_start3A_188 = tpu.memref_slice %dma_start3A_186[%dma_start3A_187] : memref<100000xf32, #tpu.memory_space<hbm>> -> memref<49952xf32, #tpu.memory_space<hbm>>
      tpu.enqueue_dma source(%dma_start3A_188 : memref<49952xf32, #tpu.memory_space<hbm>>) target(%arg8 : memref<49952xf32, #tpu.memory_space<vmem>>) target_semaphore(%arg12 : memref<!tpu.dma_semaphore, #tpu.memory_space<semaphore_mem>>)
      %parallel_loop3A = arith.constant 0 : i32
      %parallel_loop3A_189 = arith.constant 256 : i32
      %parallel_loop3A_190 = arith.constant 1 : i32
      scf.for %parallel_loop3A_265 = %parallel_loop3A to %parallel_loop3A_189 step %parallel_loop3A_190  : i32 {
        %parallel_loop3A_266 = arith.constant 16 : i32
        %parallel_loop3A_267 = arith.muli %parallel_loop3A_265, %parallel_loop3A_266 : i32
        %parallel_loop3A_268 = arith.index_cast %parallel_loop3A_267 : i32 to index
        %parallel_loop3A_269 = tpu.vector_load %arg6[%parallel_loop3A_268] {strides = array<i32>} : memref<4096xi32, #tpu.memory_space<vmem>>, vector<16xi32>,
        %parallel_loop3A_270 = arith.constant 50047 : i32
        %parallel_loop3A_271 = vector.broadcast %parallel_loop3A_270 : i32 to vector<16xi32>
        %parallel_loop3A_272 = arith.minsi %parallel_loop3A_269, %parallel_loop3A_271 : vector<16xi32>
        %parallel_loop3A_273 = tpu.vector_load_idx %arg7[%parallel_loop3A_272] : memref<50048xf32, #tpu.memory_space<vmem>>[vector<16xi32>], vector<16xf32>,
        %parallel_loop3A_274 = arith.index_cast %parallel_loop3A_267 : i32 to index
        %parallel_loop3A_275 = tpu.vector_load %arg9[%parallel_loop3A_274] {strides = array<i32>} : memref<4096xf32, #tpu.memory_space<vmem>>, vector<16xf32>,
        tpu.vector_store %arg9[%parallel_loop3A_274], %parallel_loop3A_273 {strides = array<i32>} : memref<4096xf32, #tpu.memory_space<vmem>>, vector<16xf32>,
      } {sc.loop_unroll_factor = 16 : i64, sc.parallel_access}
      %dma_wait3A_191 = arith.constant 0 : i32
      %dma_wait3A_192 = tpu.memref_slice %arg3[%add3A_136, %dma_wait3A_191] : memref<416x100000xf32, #tpu.memory_space<hbm>> -> memref<1x100000xf32, #tpu.memory_space<hbm>>
      %dma_wait3A_193 = tpu.memref_squeeze %dma_wait3A_192 : memref<1x100000xf32, #tpu.memory_space<hbm>> -> memref<100000xf32, #tpu.memory_space<hbm>>
      %dma_wait3A_194 = arith.constant 50048 : i32
      %dma_wait3A_195 = tpu.memref_slice %dma_wait3A_193[%dma_wait3A_194] : memref<100000xf32, #tpu.memory_space<hbm>> -> memref<49952xf32, #tpu.memory_space<hbm>>
      %dma_wait3A_196 = arith.constant 0 : i32
      %dma_wait3A_197 = tpu.memref_slice %arg3[%add3A_136, %dma_wait3A_196] : memref<416x100000xf32, #tpu.memory_space<hbm>> -> memref<1x100000xf32, #tpu.memory_space<hbm>>
      %dma_wait3A_198 = tpu.memref_squeeze %dma_wait3A_197 : memref<1x100000xf32, #tpu.memory_space<hbm>> -> memref<100000xf32, #tpu.memory_space<hbm>>
      %dma_wait3A_199 = arith.constant 50048 : i32
      %dma_wait3A_200 = tpu.memref_slice %dma_wait3A_198[%dma_wait3A_199] : memref<100000xf32, #tpu.memory_space<hbm>> -> memref<49952xf32, #tpu.memory_space<hbm>>
      tpu.wait_dma2 semaphore(%arg12 : memref<!tpu.dma_semaphore, #tpu.memory_space<semaphore_mem>>) src(%dma_wait3A_200 : memref<49952xf32, #tpu.memory_space<hbm>>) dst(%arg8 : memref<49952xf32, #tpu.memory_space<vmem>>)
      %lt3A_201 = arith.constant 12 : i32
      %lt3A_202 = arith.cmpi slt, %scan3A_134, %lt3A_201 : i32
      %convert_element_type3A = arith.extui %lt3A_202 : i1 to i32
      %cond3A = arith.constant 0 : i32
      %cond3A_203 = arith.cmpi ne, %convert_element_type3A, %cond3A : i32
      scf.if %cond3A_203 {
        %add3A_265 = arith.constant 1 : i32
        %add3A_266 = arith.addi %add3A_136, %add3A_265 : i32
        %dma_start3A_267 = arith.constant 0 : i32
        %dma_start3A_268 = tpu.memref_slice %arg7[%dma_start3A_267] : memref<50048xf32, #tpu.memory_space<vmem>> -> memref<25088xf32, #tpu.memory_space<vmem>>
        %dma_start3A_269 = arith.constant 0 : i32
        %dma_start3A_270 = tpu.memref_slice %arg3[%add3A_266, %dma_start3A_269] : memref<416x100000xf32, #tpu.memory_space<hbm>> -> memref<1x100000xf32, #tpu.memory_space<hbm>>
        %dma_start3A_271 = tpu.memref_squeeze %dma_start3A_270 : memref<1x100000xf32, #tpu.memory_space<hbm>> -> memref<100000xf32, #tpu.memory_space<hbm>>
        %dma_start3A_272 = arith.constant 0 : i32
        %dma_start3A_273 = tpu.memref_slice %dma_start3A_271[%dma_start3A_272] : memref<100000xf32, #tpu.memory_space<hbm>> -> memref<25088xf32, #tpu.memory_space<hbm>>
        %dma_start3A_274 = arith.constant 0 : i32
        %dma_start3A_275 = tpu.memref_slice %arg7[%dma_start3A_274] : memref<50048xf32, #tpu.memory_space<vmem>> -> memref<25088xf32, #tpu.memory_space<vmem>>
        %dma_start3A_276 = arith.constant 0 : i32
        %dma_start3A_277 = tpu.memref_slice %arg3[%add3A_266, %dma_start3A_276] : memref<416x100000xf32, #tpu.memory_space<hbm>> -> memref<1x100000xf32, #tpu.memory_space<hbm>>
        %dma_start3A_278 = tpu.memref_squeeze %dma_start3A_277 : memref<1x100000xf32, #tpu.memory_space<hbm>> -> memref<100000xf32, #tpu.memory_space<hbm>>
        %dma_start3A_279 = arith.constant 0 : i32
        %dma_start3A_280 = tpu.memref_slice %dma_start3A_278[%dma_start3A_279] : memref<100000xf32, #tpu.memory_space<hbm>> -> memref<25088xf32, #tpu.memory_space<hbm>>
        tpu.enqueue_dma source(%dma_start3A_280 : memref<25088xf32, #tpu.memory_space<hbm>>) target(%dma_start3A_275 : memref<25088xf32, #tpu.memory_space<vmem>>) target_semaphore(%arg12 : memref<!tpu.dma_semaphore, #tpu.memory_space<semaphore_mem>>)
        %dma_start3A_281 = arith.constant 25088 : i32
        %dma_start3A_282 = tpu.memref_slice %arg7[%dma_start3A_281] : memref<50048xf32, #tpu.memory_space<vmem>> -> memref<24960xf32, #tpu.memory_space<vmem>>
        %dma_start3A_283 = arith.constant 0 : i32
        %dma_start3A_284 = tpu.memref_slice %arg3[%add3A_266, %dma_start3A_283] : memref<416x100000xf32, #tpu.memory_space<hbm>> -> memref<1x100000xf32, #tpu.memory_space<hbm>>
        %dma_start3A_285 = tpu.memref_squeeze %dma_start3A_284 : memref<1x100000xf32, #tpu.memory_space<hbm>> -> memref<100000xf32, #tpu.memory_space<hbm>>
        %dma_start3A_286 = arith.constant 25088 : i32
        %dma_start3A_287 = tpu.memref_slice %dma_start3A_285[%dma_start3A_286] : memref<100000xf32, #tpu.memory_space<hbm>> -> memref<24960xf32, #tpu.memory_space<hbm>>
        %dma_start3A_288 = arith.constant 25088 : i32
        %dma_start3A_289 = tpu.memref_slice %arg7[%dma_start3A_288] : memref<50048xf32, #tpu.memory_space<vmem>> -> memref<24960xf32, #tpu.memory_space<vmem>>
        %dma_start3A_290 = arith.constant 0 : i32
        %dma_start3A_291 = tpu.memref_slice %arg3[%add3A_266, %dma_start3A_290] : memref<416x100000xf32, #tpu.memory_space<hbm>> -> memref<1x100000xf32, #tpu.memory_space<hbm>>
        %dma_start3A_292 = tpu.memref_squeeze %dma_start3A_291 : memref<1x100000xf32, #tpu.memory_space<hbm>> -> memref<100000xf32, #tpu.memory_space<hbm>>
        %dma_start3A_293 = arith.constant 25088 : i32
        %dma_start3A_294 = tpu.memref_slice %dma_start3A_292[%dma_start3A_293] : memref<100000xf32, #tpu.memory_space<hbm>> -> memref<24960xf32, #tpu.memory_space<hbm>>
        tpu.enqueue_dma source(%dma_start3A_294 : memref<24960xf32, #tpu.memory_space<hbm>>) target(%dma_start3A_289 : memref<24960xf32, #tpu.memory_space<vmem>>) target_semaphore(%arg12 : memref<!tpu.dma_semaphore, #tpu.memory_space<semaphore_mem>>)
      } else {
      }
      %ge3A = arith.constant 2 : i32
      %ge3A_204 = arith.cmpi sge, %scan3A_134, %ge3A : i32
      %convert_element_type3A_205 = arith.extui %ge3A_204 : i1 to i32
      %cond3A_206 = arith.constant 0 : i32
      %cond3A_207 = arith.cmpi ne, %convert_element_type3A_205, %cond3A_206 : i32
      scf.if %cond3A_207 {
        %sub3A_265 = arith.constant 2 : i32
        %sub3A_266 = arith.subi %add3A_136, %sub3A_265 : i32
        %dma_wait3A_267 = arith.constant 0 : i32
        %dma_wait3A_268 = tpu.memref_slice %arg10[%select_n3A_150, %dma_wait3A_267] : memref<2x4096xf32, #tpu.memory_space<vmem>> -> memref<1x4096xf32, #tpu.memory_space<vmem>>
        %dma_wait3A_269 = tpu.memref_squeeze %dma_wait3A_268 : memref<1x4096xf32, #tpu.memory_space<vmem>> -> memref<4096xf32, #tpu.memory_space<vmem>>
        %dma_wait3A_270 = arith.constant 0 : i32
        %dma_wait3A_271 = tpu.memref_slice %arg4[%sub3A_266, %dma_wait3A_270] : memref<416x4096xf32, #tpu.memory_space<hbm>> -> memref<1x4096xf32, #tpu.memory_space<hbm>>
        %dma_wait3A_272 = tpu.memref_squeeze %dma_wait3A_271 : memref<1x4096xf32, #tpu.memory_space<hbm>> -> memref<4096xf32, #tpu.memory_space<hbm>>
        %dma_wait3A_273 = arith.constant 0 : i32
        %dma_wait3A_274 = tpu.memref_slice %arg4[%sub3A_266, %dma_wait3A_273] : memref<416x4096xf32, #tpu.memory_space<hbm>> -> memref<1x4096xf32, #tpu.memory_space<hbm>>
        %dma_wait3A_275 = tpu.memref_squeeze %dma_wait3A_274 : memref<1x4096xf32, #tpu.memory_space<hbm>> -> memref<4096xf32, #tpu.memory_space<hbm>>
        %dma_wait3A_276 = arith.constant 0 : i32
        %dma_wait3A_277 = tpu.memref_slice %arg10[%select_n3A_150, %dma_wait3A_276] : memref<2x4096xf32, #tpu.memory_space<vmem>> -> memref<1x4096xf32, #tpu.memory_space<vmem>>
        %dma_wait3A_278 = tpu.memref_squeeze %dma_wait3A_277 : memref<1x4096xf32, #tpu.memory_space<vmem>> -> memref<4096xf32, #tpu.memory_space<vmem>>
        tpu.wait_dma2 semaphore(%arg13 : memref<!tpu.dma_semaphore, #tpu.memory_space<semaphore_mem>>) src(%dma_wait3A_278 : memref<4096xf32, #tpu.memory_space<vmem>>) dst(%dma_wait3A_275 : memref<4096xf32, #tpu.memory_space<hbm>>)
        %sub3A_279 = arith.constant 2 : i32
        %sub3A_280 = arith.subi %add3A_136, %sub3A_279 : i32
        %dma_wait3A_281 = arith.constant 0 : i32
        %dma_wait3A_282 = tpu.memref_slice %arg11[%select_n3A_150, %dma_wait3A_281] : memref<2x4096xf32, #tpu.memory_space<vmem>> -> memref<1x4096xf32, #tpu.memory_space<vmem>>
        %dma_wait3A_283 = tpu.memref_squeeze %dma_wait3A_282 : memref<1x4096xf32, #tpu.memory_space<vmem>> -> memref<4096xf32, #tpu.memory_space<vmem>>
        %dma_wait3A_284 = arith.constant 0 : i32
        %dma_wait3A_285 = tpu.memref_slice %arg5[%sub3A_280, %dma_wait3A_284] : memref<416x4096xf32, #tpu.memory_space<hbm>> -> memref<1x4096xf32, #tpu.memory_space<hbm>>
        %dma_wait3A_286 = tpu.memref_squeeze %dma_wait3A_285 : memref<1x4096xf32, #tpu.memory_space<hbm>> -> memref<4096xf32, #tpu.memory_space<hbm>>
        %dma_wait3A_287 = arith.constant 0 : i32
        %dma_wait3A_288 = tpu.memref_slice %arg5[%sub3A_280, %dma_wait3A_287] : memref<416x4096xf32, #tpu.memory_space<hbm>> -> memref<1x4096xf32, #tpu.memory_space<hbm>>
        %dma_wait3A_289 = tpu.memref_squeeze %dma_wait3A_288 : memref<1x4096xf32, #tpu.memory_space<hbm>> -> memref<4096xf32, #tpu.memory_space<hbm>>
        %dma_wait3A_290 = arith.constant 0 : i32
        %dma_wait3A_291 = tpu.memref_slice %arg11[%select_n3A_150, %dma_wait3A_290] : memref<2x4096xf32, #tpu.memory_space<vmem>> -> memref<1x4096xf32, #tpu.memory_space<vmem>>
        %dma_wait3A_292 = tpu.memref_squeeze %dma_wait3A_291 : memref<1x4096xf32, #tpu.memory_space<vmem>> -> memref<4096xf32, #tpu.memory_space<vmem>>
        tpu.wait_dma2 semaphore(%arg13 : memref<!tpu.dma_semaphore, #tpu.memory_space<semaphore_mem>>) src(%dma_wait3A_292 : memref<4096xf32, #tpu.memory_space<vmem>>) dst(%dma_wait3A_289 : memref<4096xf32, #tpu.memory_space<hbm>>)
      } else {
      }
      %parallel_loop3A_208 = arith.constant 0 : i32
      %parallel_loop3A_209 = arith.constant 256 : i32
      %parallel_loop3A_210 = arith.constant 1 : i32
      scf.for %parallel_loop3A_265 = %parallel_loop3A_208 to %parallel_loop3A_209 step %parallel_loop3A_210  : i32 {
        %parallel_loop3A_266 = arith.constant 16 : i32
        %parallel_loop3A_267 = arith.muli %parallel_loop3A_265, %parallel_loop3A_266 : i32
        %parallel_loop3A_268 = arith.index_cast %parallel_loop3A_267 : i32 to index
        %parallel_loop3A_269 = tpu.vector_load %arg6[%parallel_loop3A_268] {strides = array<i32>} : memref<4096xi32, #tpu.memory_space<vmem>>, vector<16xi32>,
        %parallel_loop3A_270 = arith.constant 50048 : i32
        %parallel_loop3A_271 = vector.broadcast %parallel_loop3A_270 : i32 to vector<16xi32>
        %parallel_loop3A_272 = arith.cmpi sge, %parallel_loop3A_269, %parallel_loop3A_271 : vector<16xi32>
        %parallel_loop3A_273 = arith.constant 50048 : i32
        %parallel_loop3A_274 = vector.broadcast %parallel_loop3A_273 : i32 to vector<16xi32>
        %parallel_loop3A_275 = arith.subi %parallel_loop3A_269, %parallel_loop3A_274 : vector<16xi32>
        %parallel_loop3A_276 = arith.constant 0 : i32
        %parallel_loop3A_277 = arith.constant 49951 : i32
        %parallel_loop3A_278 = vector.broadcast %parallel_loop3A_276 : i32 to vector<16xi32>
        %parallel_loop3A_279 = arith.maxsi %parallel_loop3A_278, %parallel_loop3A_275 : vector<16xi32>
        %parallel_loop3A_280 = vector.broadcast %parallel_loop3A_277 : i32 to vector<16xi32>
        %parallel_loop3A_281 = arith.minsi %parallel_loop3A_280, %parallel_loop3A_279 : vector<16xi32>
        %parallel_loop3A_282 = tpu.vector_load_idx %arg8[%parallel_loop3A_281] : memref<49952xf32, #tpu.memory_space<vmem>>[vector<16xi32>], vector<16xf32>,
        %parallel_loop3A_283 = arith.index_cast %parallel_loop3A_267 : i32 to index
        %parallel_loop3A_284 = tpu.vector_load %arg9[%parallel_loop3A_283] {strides = array<i32>} : memref<4096xf32, #tpu.memory_space<vmem>>, vector<16xf32>,
        %parallel_loop3A_285 = arith.select %parallel_loop3A_272, %parallel_loop3A_282, %parallel_loop3A_284 : vector<16xi1>, vector<16xf32>
        %parallel_loop3A_286 = vector.bitcast %parallel_loop3A_285 : vector<16xf32> to vector<16xi32>
        %parallel_loop3A_287 = arith.constant -2147483648 : i32
        %parallel_loop3A_288 = vector.broadcast %parallel_loop3A_287 : i32 to vector<16xi32>
        %parallel_loop3A_289 = arith.andi %parallel_loop3A_286, %parallel_loop3A_288 : vector<16xi32>
        %parallel_loop3A_290 = arith.constant 1065353216 : i32
        %parallel_loop3A_291 = vector.broadcast %parallel_loop3A_290 : i32 to vector<16xi32>
        %parallel_loop3A_292 = arith.ori %parallel_loop3A_289, %parallel_loop3A_291 : vector<16xi32>
        %parallel_loop3A_293 = vector.bitcast %parallel_loop3A_292 : vector<16xi32> to vector<16xf32>
        %parallel_loop3A_294 = arith.constant 0.000000e+00 : f32
        %parallel_loop3A_295 = vector.broadcast %parallel_loop3A_294 : f32 to vector<16xf32>
        %parallel_loop3A_296 = arith.cmpf oeq, %parallel_loop3A_285, %parallel_loop3A_295 : vector<16xf32>
        %parallel_loop3A_297 = arith.constant 0.000000e+00 : f32
        %parallel_loop3A_298 = vector.broadcast %parallel_loop3A_297 : f32 to vector<16xf32>
        %parallel_loop3A_299 = arith.select %parallel_loop3A_296, %parallel_loop3A_298, %parallel_loop3A_293 : vector<16xi1>, vector<16xf32>
        %parallel_loop3A_300 = math.absf %parallel_loop3A_285 : vector<16xf32>
        %parallel_loop3A_301 = arith.constant 1.17549435E-38 : f32
        %parallel_loop3A_302 = vector.broadcast %parallel_loop3A_301 : f32 to vector<16xf32>
        %parallel_loop3A_303 = arith.maximumf %parallel_loop3A_300, %parallel_loop3A_302 : vector<16xf32>
        %parallel_loop3A_304 = vector.bitcast %parallel_loop3A_303 : vector<16xf32> to vector<16xi32>
        %parallel_loop3A_305 = arith.constant 23 : i32
        %parallel_loop3A_306 = vector.broadcast %parallel_loop3A_305 : i32 to vector<16xi32>
        %parallel_loop3A_307 = arith.shrsi %parallel_loop3A_304, %parallel_loop3A_306 : vector<16xi32>
        %parallel_loop3A_308 = arith.constant 127 : i32
        %parallel_loop3A_309 = vector.broadcast %parallel_loop3A_308 : i32 to vector<16xi32>
        %parallel_loop3A_310 = arith.subi %parallel_loop3A_307, %parallel_loop3A_309 : vector<16xi32>
        %parallel_loop3A_311 = arith.constant 8388607 : i32
        %parallel_loop3A_312 = vector.broadcast %parallel_loop3A_311 : i32 to vector<16xi32>
        %parallel_loop3A_313 = arith.andi %parallel_loop3A_304, %parallel_loop3A_312 : vector<16xi32>
        %parallel_loop3A_314 = arith.constant 1065353216 : i32
        %parallel_loop3A_315 = vector.broadcast %parallel_loop3A_314 : i32 to vector<16xi32>
        %parallel_loop3A_316 = arith.ori %parallel_loop3A_313, %parallel_loop3A_315 : vector<16xi32>
        %parallel_loop3A_317 = vector.bitcast %parallel_loop3A_316 : vector<16xi32> to vector<16xf32>
        %parallel_loop3A_318 = arith.constant 0.0439286269 : f32
        %parallel_loop3A_319 = vector.broadcast %parallel_loop3A_318 : f32 to vector<16xf32>
        %parallel_loop3A_320 = arith.mulf %parallel_loop3A_319, %parallel_loop3A_317 : vector<16xf32>
        %parallel_loop3A_321 = arith.constant -0.409475595 : f32
        %parallel_loop3A_322 = vector.broadcast %parallel_loop3A_321 : f32 to vector<16xf32>
        %parallel_loop3A_323 = arith.addf %parallel_loop3A_320, %parallel_loop3A_322 : vector<16xf32>
        %parallel_loop3A_324 = arith.mulf %parallel_loop3A_323, %parallel_loop3A_317 : vector<16xf32>
        %parallel_loop3A_325 = arith.constant 1.61017752 : f32
        %parallel_loop3A_326 = vector.broadcast %parallel_loop3A_325 : f32 to vector<16xf32>
        %parallel_loop3A_327 = arith.addf %parallel_loop3A_324, %parallel_loop3A_326 : vector<16xf32>
        %parallel_loop3A_328 = arith.mulf %parallel_loop3A_327, %parallel_loop3A_317 : vector<16xf32>
        %parallel_loop3A_329 = arith.constant -3.52021885 : f32
        %parallel_loop3A_330 = vector.broadcast %parallel_loop3A_329 : f32 to vector<16xf32>
        %parallel_loop3A_331 = arith.addf %parallel_loop3A_328, %parallel_loop3A_330 : vector<16xf32>
        %parallel_loop3A_332 = arith.mulf %parallel_loop3A_331, %parallel_loop3A_317 : vector<16xf32>
        %parallel_loop3A_333 = arith.constant 5.06975651 : f32
        %parallel_loop3A_334 = vector.broadcast %parallel_loop3A_333 : f32 to vector<16xf32>
        %parallel_loop3A_335 = arith.addf %parallel_loop3A_332, %parallel_loop3A_334 : vector<16xf32>
        %parallel_loop3A_336 = arith.mulf %parallel_loop3A_335, %parallel_loop3A_317 : vector<16xf32>
        %parallel_loop3A_337 = arith.constant -2.79415369 : f32
        %parallel_loop3A_338 = vector.broadcast %parallel_loop3A_337 : f32 to vector<16xf32>
        %parallel_loop3A_339 = arith.addf %parallel_loop3A_336, %parallel_loop3A_338 : vector<16xf32>
        %parallel_loop3A_340 = arith.sitofp %parallel_loop3A_310 : vector<16xi32> to vector<16xf32>
        %parallel_loop3A_341 = arith.addf %parallel_loop3A_340, %parallel_loop3A_339 : vector<16xf32>
        %parallel_loop3A_342 = arith.constant 0.693147182 : f32
        %parallel_loop3A_343 = vector.broadcast %parallel_loop3A_342 : f32 to vector<16xf32>
        %parallel_loop3A_344 = arith.mulf %parallel_loop3A_341, %parallel_loop3A_343 : vector<16xf32>
        %parallel_loop3A_345 = arith.index_cast %select_n3A_150 : i32 to index
        %parallel_loop3A_346 = arith.index_cast %parallel_loop3A_267 : i32 to index
        %parallel_loop3A_347 = tpu.vector_load %arg10[%parallel_loop3A_345, %parallel_loop3A_346] {strides = array<i32>} : memref<2x4096xf32, #tpu.memory_space<vmem>>, vector<16xf32>,
        tpu.vector_store %arg10[%parallel_loop3A_345, %parallel_loop3A_346], %parallel_loop3A_344 {strides = array<i32>} : memref<2x4096xf32, #tpu.memory_space<vmem>>, vector<16xf32>,
        %parallel_loop3A_348 = arith.index_cast %select_n3A_150 : i32 to index
        %parallel_loop3A_349 = arith.index_cast %parallel_loop3A_267 : i32 to index
        %parallel_loop3A_350 = tpu.vector_load %arg11[%parallel_loop3A_348, %parallel_loop3A_349] {strides = array<i32>} : memref<2x4096xf32, #tpu.memory_space<vmem>>, vector<16xf32>,
        tpu.vector_store %arg11[%parallel_loop3A_348, %parallel_loop3A_349], %parallel_loop3A_299 {strides = array<i32>} : memref<2x4096xf32, #tpu.memory_space<vmem>>, vector<16xf32>,
      } {sc.loop_unroll_factor = 8 : i64, sc.parallel_access}
      %dma_start3A_211 = arith.constant 0 : i32
      %dma_start3A_212 = tpu.memref_slice %arg10[%select_n3A_150, %dma_start3A_211] : memref<2x4096xf32, #tpu.memory_space<vmem>> -> memref<1x4096xf32, #tpu.memory_space<vmem>>
      %dma_start3A_213 = tpu.memref_squeeze %dma_start3A_212 : memref<1x4096xf32, #tpu.memory_space<vmem>> -> memref<4096xf32, #tpu.memory_space<vmem>>
      %dma_start3A_214 = arith.constant 0 : i32
      %dma_start3A_215 = tpu.memref_slice %arg4[%add3A_136, %dma_start3A_214] : memref<416x4096xf32, #tpu.memory_space<hbm>> -> memref<1x4096xf32, #tpu.memory_space<hbm>>
      %dma_start3A_216 = tpu.memref_squeeze %dma_start3A_215 : memref<1x4096xf32, #tpu.memory_space<hbm>> -> memref<4096xf32, #tpu.memory_space<hbm>>
      %dma_start3A_217 = arith.constant 0 : i32
      %dma_start3A_218 = tpu.memref_slice %arg4[%add3A_136, %dma_start3A_217] : memref<416x4096xf32, #tpu.memory_space<hbm>> -> memref<1x4096xf32, #tpu.memory_space<hbm>>
      %dma_start3A_219 = tpu.memref_squeeze %dma_start3A_218 : memref<1x4096xf32, #tpu.memory_space<hbm>> -> memref<4096xf32, #tpu.memory_space<hbm>>
      %dma_start3A_220 = arith.constant 0 : i32
      %dma_start3A_221 = tpu.memref_slice %arg10[%select_n3A_150, %dma_start3A_220] : memref<2x4096xf32, #tpu.memory_space<vmem>> -> memref<1x4096xf32, #tpu.memory_space<vmem>>
      %dma_start3A_222 = tpu.memref_squeeze %dma_start3A_221 : memref<1x4096xf32, #tpu.memory_space<vmem>> -> memref<4096xf32, #tpu.memory_space<vmem>>
      tpu.enqueue_dma source(%dma_start3A_222 : memref<4096xf32, #tpu.memory_space<vmem>>) target(%dma_start3A_219 : memref<4096xf32, #tpu.memory_space<hbm>>) target_semaphore(%arg13 : memref<!tpu.dma_semaphore, #tpu.memory_space<semaphore_mem>>)
      %dma_start3A_223 = arith.constant 0 : i32
      %dma_start3A_224 = tpu.memref_slice %arg11[%select_n3A_150, %dma_start3A_223] : memref<2x4096xf32, #tpu.memory_space<vmem>> -> memref<1x4096xf32, #tpu.memory_space<vmem>>
      %dma_start3A_225 = tpu.memref_squeeze %dma_start3A_224 : memref<1x4096xf32, #tpu.memory_space<vmem>> -> memref<4096xf32, #tpu.memory_space<vmem>>
      %dma_start3A_226 = arith.constant 0 : i32
      %dma_start3A_227 = tpu.memref_slice %arg5[%add3A_136, %dma_start3A_226] : memref<416x4096xf32, #tpu.memory_space<hbm>> -> memref<1x4096xf32, #tpu.memory_space<hbm>>
      %dma_start3A_228 = tpu.memref_squeeze %dma_start3A_227 : memref<1x4096xf32, #tpu.memory_space<hbm>> -> memref<4096xf32, #tpu.memory_space<hbm>>
      %dma_start3A_229 = arith.constant 0 : i32
      %dma_start3A_230 = tpu.memref_slice %arg5[%add3A_136, %dma_start3A_229] : memref<416x4096xf32, #tpu.memory_space<hbm>> -> memref<1x4096xf32, #tpu.memory_space<hbm>>
      %dma_start3A_231 = tpu.memref_squeeze %dma_start3A_230 : memref<1x4096xf32, #tpu.memory_space<hbm>> -> memref<4096xf32, #tpu.memory_space<hbm>>
      %dma_start3A_232 = arith.constant 0 : i32
      %dma_start3A_233 = tpu.memref_slice %arg11[%select_n3A_150, %dma_start3A_232] : memref<2x4096xf32, #tpu.memory_space<vmem>> -> memref<1x4096xf32, #tpu.memory_space<vmem>>
      %dma_start3A_234 = tpu.memref_squeeze %dma_start3A_233 : memref<1x4096xf32, #tpu.memory_space<vmem>> -> memref<4096xf32, #tpu.memory_space<vmem>>
      tpu.enqueue_dma source(%dma_start3A_234 : memref<4096xf32, #tpu.memory_space<vmem>>) target(%dma_start3A_231 : memref<4096xf32, #tpu.memory_space<hbm>>) target_semaphore(%arg13 : memref<!tpu.dma_semaphore, #tpu.memory_space<semaphore_mem>>)
      %add3A_235 = arith.constant 1 : i32
      %add3A_236 = arith.addi %add3A_136, %add3A_235 : i32
      %jit3A_237 = arith.constant 16 : i32
      %div3A_238 = arith.divsi %add3A_236, %jit3A_237 : i32
      %sign3A_239 = arith.constant 0 : i32
      %sign3A_240 = arith.cmpi sgt, %add3A_236, %sign3A_239 : i32
      %sign3A_241 = arith.extui %sign3A_240 : i1 to i32
      %sign3A_242 = arith.constant 0 : i32
      %sign3A_243 = arith.cmpi slt, %add3A_236, %sign3A_242 : i32
      %sign3A_244 = arith.extui %sign3A_243 : i1 to i32
      %sign3A_245 = arith.subi %sign3A_241, %sign3A_244 : i32
      %sign3A_246 = arith.constant 0 : i32
      %sign3A_247 = arith.cmpi sgt, %jit3A_237, %sign3A_246 : i32
      %sign3A_248 = arith.extui %sign3A_247 : i1 to i32
      %sign3A_249 = arith.constant 0 : i32
      %sign3A_250 = arith.cmpi slt, %jit3A_237, %sign3A_249 : i32
      %sign3A_251 = arith.extui %sign3A_250 : i1 to i32
      %sign3A_252 = arith.subi %sign3A_248, %sign3A_251 : i32
      %ne3A_253 = arith.cmpi ne, %sign3A_245, %sign3A_252 : i32
      %rem3A_254 = arith.remsi %add3A_236, %jit3A_237 : i32
      %ne3A_255 = arith.constant 0 : i32
      %ne3A_256 = arith.cmpi ne, %rem3A_254, %ne3A_255 : i32
      %and3A_257 = arith.andi %ne3A_253, %ne3A_256 : i1
      %sub3A_258 = arith.constant 1 : i32
      %sub3A_259 = arith.subi %div3A_238, %sub3A_258 : i32
      %select_n3A_260 = arith.select %and3A_257, %sub3A_259, %div3A_238 : i32
      %ne3A_261 = arith.cmpi ne, %select_n3A_260, %scan3A_135 : i32
      %convert_element_type3A_262 = arith.extui %ne3A_261 : i1 to i32
      %cond3A_263 = arith.constant 0 : i32
      %cond3A_264 = arith.cmpi ne, %convert_element_type3A_262, %cond3A_263 : i32
      scf.if %cond3A_264 {
        %min3A = arith.constant 25 : i32
        %min3A_265 = arith.minsi %select_n3A_260, %min3A : i32
        "tpu.region"() ({
          %run_scoped3A = tpu.sem_alloc : memref<!tpu.dma_semaphore, #tpu.memory_space<semaphore_mem>>
          %dma_start3A_266 = arith.constant 0 : i32
          %dma_start3A_267 = tpu.memref_slice %arg2[%min3A_265, %dma_start3A_266] : memref<26x4096xi32, #tpu.memory_space<hbm>> -> memref<1x4096xi32, #tpu.memory_space<hbm>>
          %dma_start3A_268 = tpu.memref_squeeze %dma_start3A_267 : memref<1x4096xi32, #tpu.memory_space<hbm>> -> memref<4096xi32, #tpu.memory_space<hbm>>
          %dma_start3A_269 = arith.constant 0 : i32
          %dma_start3A_270 = tpu.memref_slice %arg2[%min3A_265, %dma_start3A_269] : memref<26x4096xi32, #tpu.memory_space<hbm>> -> memref<1x4096xi32, #tpu.memory_space<hbm>>
          %dma_start3A_271 = tpu.memref_squeeze %dma_start3A_270 : memref<1x4096xi32, #tpu.memory_space<hbm>> -> memref<4096xi32, #tpu.memory_space<hbm>>
          tpu.enqueue_dma source(%dma_start3A_271 : memref<4096xi32, #tpu.memory_space<hbm>>) target(%arg6 : memref<4096xi32, #tpu.memory_space<vmem>>) target_semaphore(%run_scoped3A : memref<!tpu.dma_semaphore, #tpu.memory_space<semaphore_mem>>)
          %dma_wait3A_272 = arith.constant 0 : i32
          %dma_wait3A_273 = tpu.memref_slice %arg2[%min3A_265, %dma_wait3A_272] : memref<26x4096xi32, #tpu.memory_space<hbm>> -> memref<1x4096xi32, #tpu.memory_space<hbm>>
          %dma_wait3A_274 = tpu.memref_squeeze %dma_wait3A_273 : memref<1x4096xi32, #tpu.memory_space<hbm>> -> memref<4096xi32, #tpu.memory_space<hbm>>
          %dma_wait3A_275 = arith.constant 0 : i32
          %dma_wait3A_276 = tpu.memref_slice %arg2[%min3A_265, %dma_wait3A_275] : memref<26x4096xi32, #tpu.memory_space<hbm>> -> memref<1x4096xi32, #tpu.memory_space<hbm>>
          %dma_wait3A_277 = tpu.memref_squeeze %dma_wait3A_276 : memref<1x4096xi32, #tpu.memory_space<hbm>> -> memref<4096xi32, #tpu.memory_space<hbm>>
          tpu.wait_dma2 semaphore(%run_scoped3A : memref<!tpu.dma_semaphore, #tpu.memory_space<semaphore_mem>>) src(%dma_wait3A_277 : memref<4096xi32, #tpu.memory_space<hbm>>) dst(%arg6 : memref<4096xi32, #tpu.memory_space<vmem>>)
          tpu.yield
        }) : () -> ()
      } else {
      }
      scf.yield %select_n3A_260 : i32
    }
    %scan3A_74 = arith.constant 13 : i32
    %add3A_75 = arith.constant 13 : i32
    %add3A_76 = arith.addi %mul3A_2, %add3A_75 : i32
    %sub3A_77 = arith.constant 1 : i32
    %sub3A_78 = arith.subi %add3A_76, %sub3A_77 : i32
    %sub3A_79 = arith.constant 1 : i32
    %sub3A_80 = arith.subi %sub3A_78, %sub3A_79 : i32
    %dma_wait3A = arith.constant 1 : i32
    %dma_wait3A_81 = arith.constant 0 : i32
    %dma_wait3A_82 = tpu.memref_slice %arg10[%dma_wait3A, %dma_wait3A_81] : memref<2x4096xf32, #tpu.memory_space<vmem>> -> memref<1x4096xf32, #tpu.memory_space<vmem>>
    %dma_wait3A_83 = tpu.memref_squeeze %dma_wait3A_82 : memref<1x4096xf32, #tpu.memory_space<vmem>> -> memref<4096xf32, #tpu.memory_space<vmem>>
    %dma_wait3A_84 = arith.constant 0 : i32
    %dma_wait3A_85 = tpu.memref_slice %arg4[%sub3A_80, %dma_wait3A_84] : memref<416x4096xf32, #tpu.memory_space<hbm>> -> memref<1x4096xf32, #tpu.memory_space<hbm>>
    %dma_wait3A_86 = tpu.memref_squeeze %dma_wait3A_85 : memref<1x4096xf32, #tpu.memory_space<hbm>> -> memref<4096xf32, #tpu.memory_space<hbm>>
    %dma_wait3A_87 = arith.constant 0 : i32
    %dma_wait3A_88 = tpu.memref_slice %arg4[%sub3A_80, %dma_wait3A_87] : memref<416x4096xf32, #tpu.memory_space<hbm>> -> memref<1x4096xf32, #tpu.memory_space<hbm>>
    %dma_wait3A_89 = tpu.memref_squeeze %dma_wait3A_88 : memref<1x4096xf32, #tpu.memory_space<hbm>> -> memref<4096xf32, #tpu.memory_space<hbm>>
    %dma_wait3A_90 = arith.constant 0 : i32
    %dma_wait3A_91 = tpu.memref_slice %arg10[%dma_wait3A, %dma_wait3A_90] : memref<2x4096xf32, #tpu.memory_space<vmem>> -> memref<1x4096xf32, #tpu.memory_space<vmem>>
    %dma_wait3A_92 = tpu.memref_squeeze %dma_wait3A_91 : memref<1x4096xf32, #tpu.memory_space<vmem>> -> memref<4096xf32, #tpu.memory_space<vmem>>
    tpu.wait_dma2 semaphore(%arg13 : memref<!tpu.dma_semaphore, #tpu.memory_space<semaphore_mem>>) src(%dma_wait3A_92 : memref<4096xf32, #tpu.memory_space<vmem>>) dst(%dma_wait3A_89 : memref<4096xf32, #tpu.memory_space<hbm>>)
    %sub3A_93 = arith.constant 1 : i32
    %sub3A_94 = arith.subi %sub3A_78, %sub3A_93 : i32
    %dma_wait3A_95 = arith.constant 1 : i32
    %dma_wait3A_96 = arith.constant 0 : i32
    %dma_wait3A_97 = tpu.memref_slice %arg11[%dma_wait3A_95, %dma_wait3A_96] : memref<2x4096xf32, #tpu.memory_space<vmem>> -> memref<1x4096xf32, #tpu.memory_space<vmem>>
    %dma_wait3A_98 = tpu.memref_squeeze %dma_wait3A_97 : memref<1x4096xf32, #tpu.memory_space<vmem>> -> memref<4096xf32, #tpu.memory_space<vmem>>
    %dma_wait3A_99 = arith.constant 0 : i32
    %dma_wait3A_100 = tpu.memref_slice %arg5[%sub3A_94, %dma_wait3A_99] : memref<416x4096xf32, #tpu.memory_space<hbm>> -> memref<1x4096xf32, #tpu.memory_space<hbm>>
    %dma_wait3A_101 = tpu.memref_squeeze %dma_wait3A_100 : memref<1x4096xf32, #tpu.memory_space<hbm>> -> memref<4096xf32, #tpu.memory_space<hbm>>
    %dma_wait3A_102 = arith.constant 0 : i32
    %dma_wait3A_103 = tpu.memref_slice %arg5[%sub3A_94, %dma_wait3A_102] : memref<416x4096xf32, #tpu.memory_space<hbm>> -> memref<1x4096xf32, #tpu.memory_space<hbm>>
    %dma_wait3A_104 = tpu.memref_squeeze %dma_wait3A_103 : memref<1x4096xf32, #tpu.memory_space<hbm>> -> memref<4096xf32, #tpu.memory_space<hbm>>
    %dma_wait3A_105 = arith.constant 0 : i32
    %dma_wait3A_106 = tpu.memref_slice %arg11[%dma_wait3A_95, %dma_wait3A_105] : memref<2x4096xf32, #tpu.memory_space<vmem>> -> memref<1x4096xf32, #tpu.memory_space<vmem>>
    %dma_wait3A_107 = tpu.memref_squeeze %dma_wait3A_106 : memref<1x4096xf32, #tpu.memory_space<vmem>> -> memref<4096xf32, #tpu.memory_space<vmem>>
    tpu.wait_dma2 semaphore(%arg13 : memref<!tpu.dma_semaphore, #tpu.memory_space<semaphore_mem>>) src(%dma_wait3A_107 : memref<4096xf32, #tpu.memory_space<vmem>>) dst(%dma_wait3A_104 : memref<4096xf32, #tpu.memory_space<hbm>>)
    %dma_wait3A_108 = arith.constant 0 : i32
    %dma_wait3A_109 = arith.constant 0 : i32
    %dma_wait3A_110 = tpu.memref_slice %arg10[%dma_wait3A_108, %dma_wait3A_109] : memref<2x4096xf32, #tpu.memory_space<vmem>> -> memref<1x4096xf32, #tpu.memory_space<vmem>>
    %dma_wait3A_111 = tpu.memref_squeeze %dma_wait3A_110 : memref<1x4096xf32, #tpu.memory_space<vmem>> -> memref<4096xf32, #tpu.memory_space<vmem>>
    %dma_wait3A_112 = arith.constant 0 : i32
    %dma_wait3A_113 = tpu.memref_slice %arg4[%sub3A_78, %dma_wait3A_112] : memref<416x4096xf32, #tpu.memory_space<hbm>> -> memref<1x4096xf32, #tpu.memory_space<hbm>>
    %dma_wait3A_114 = tpu.memref_squeeze %dma_wait3A_113 : memref<1x4096xf32, #tpu.memory_space<hbm>> -> memref<4096xf32, #tpu.memory_space<hbm>>
    %dma_wait3A_115 = arith.constant 0 : i32
    %dma_wait3A_116 = tpu.memref_slice %arg4[%sub3A_78, %dma_wait3A_115] : memref<416x4096xf32, #tpu.memory_space<hbm>> -> memref<1x4096xf32, #tpu.memory_space<hbm>>
    %dma_wait3A_117 = tpu.memref_squeeze %dma_wait3A_116 : memref<1x4096xf32, #tpu.memory_space<hbm>> -> memref<4096xf32, #tpu.memory_space<hbm>>
    %dma_wait3A_118 = arith.constant 0 : i32
    %dma_wait3A_119 = tpu.memref_slice %arg10[%dma_wait3A_108, %dma_wait3A_118] : memref<2x4096xf32, #tpu.memory_space<vmem>> -> memref<1x4096xf32, #tpu.memory_space<vmem>>
    %dma_wait3A_120 = tpu.memref_squeeze %dma_wait3A_119 : memref<1x4096xf32, #tpu.memory_space<vmem>> -> memref<4096xf32, #tpu.memory_space<vmem>>
    tpu.wait_dma2 semaphore(%arg13 : memref<!tpu.dma_semaphore, #tpu.memory_space<semaphore_mem>>) src(%dma_wait3A_120 : memref<4096xf32, #tpu.memory_space<vmem>>) dst(%dma_wait3A_117 : memref<4096xf32, #tpu.memory_space<hbm>>)
    %dma_wait3A_121 = arith.constant 0 : i32
    %dma_wait3A_122 = arith.constant 0 : i32
    %dma_wait3A_123 = tpu.memref_slice %arg11[%dma_wait3A_121, %dma_wait3A_122] : memref<2x4096xf32, #tpu.memory_space<vmem>> -> memref<1x4096xf32, #tpu.memory_space<vmem>>
    %dma_wait3A_124 = tpu.memref_squeeze %dma_wait3A_123 : memref<1x4096xf32, #tpu.memory_space<vmem>> -> memref<4096xf32, #tpu.memory_space<vmem>>
    %dma_wait3A_125 = arith.constant 0 : i32
    %dma_wait3A_126 = tpu.memref_slice %arg5[%sub3A_78, %dma_wait3A_125] : memref<416x4096xf32, #tpu.memory_space<hbm>> -> memref<1x4096xf32, #tpu.memory_space<hbm>>
    %dma_wait3A_127 = tpu.memref_squeeze %dma_wait3A_126 : memref<1x4096xf32, #tpu.memory_space<hbm>> -> memref<4096xf32, #tpu.memory_space<hbm>>
    %dma_wait3A_128 = arith.constant 0 : i32
    %dma_wait3A_129 = tpu.memref_slice %arg5[%sub3A_78, %dma_wait3A_128] : memref<416x4096xf32, #tpu.memory_space<hbm>> -> memref<1x4096xf32, #tpu.memory_space<hbm>>
    %dma_wait3A_130 = tpu.memref_squeeze %dma_wait3A_129 : memref<1x4096xf32, #tpu.memory_space<hbm>> -> memref<4096xf32, #tpu.memory_space<hbm>>
    %dma_wait3A_131 = arith.constant 0 : i32
    %dma_wait3A_132 = tpu.memref_slice %arg11[%dma_wait3A_121, %dma_wait3A_131] : memref<2x4096xf32, #tpu.memory_space<vmem>> -> memref<1x4096xf32, #tpu.memory_space<vmem>>
    %dma_wait3A_133 = tpu.memref_squeeze %dma_wait3A_132 : memref<1x4096xf32, #tpu.memory_space<vmem>> -> memref<4096xf32, #tpu.memory_space<vmem>>
    tpu.wait_dma2 semaphore(%arg13 : memref<!tpu.dma_semaphore, #tpu.memory_space<semaphore_mem>>) src(%dma_wait3A_133 : memref<4096xf32, #tpu.memory_space<vmem>>) dst(%dma_wait3A_130 : memref<4096xf32, #tpu.memory_space<hbm>>)
    return
  }
}

</mosaic_0001>

<sc_bundles>
// kernel: kernel.3.cloned.1.call-start
scs
__scs_entry_jumppad:
0x0: {  	(pc) =	sbr.rel $0x88, $3  }
0x1: {  	(tag) =	ssettag $0x0;
	lr =	simm.s32 $0x1  }
0x2: {  	[smem:$0x3F9F] =	sst lr;
	_ =	strace $0xD0000000  }
0x3: {  	_ = 	snop  }
0x4: {  	_ = 	snop  }
0x5: {  	_ = 	snop  }
0x6: {  	_ = 	snop  }
0x7: {  	_ = 	snop  }
__scs_overlays_trampoline_lowered:
0x8: {  	[smem:$0x3FAE] =	sst s0  }
0x9: {  	[smem:$0x3FAF] =	sst s1  }
0xa: {  	[smem:$0x3FB0] =	sst s2  }
0xb: {  	[smem:$0x3FB1] =	sst s3  }
0xc: {  	[smem:$0x3FB2] =	sst s4  }
0xd: {  	[smem:$0x3FB3] =	sst s5  }
0xe: {  	[smem:$0x3FB4] =	sst s6  }
0xf: {  	[smem:$0x3FB5] =	sst s7  }
0x10: {  	[smem:$0x3FB6] =	sst s8  }
0x11: {  	[smem:$0x3FB7] =	sst s9;
	s0 =	simm.s32 @!p0 $0x0  }
0x12: {  	s1 =	sld [smem:$0x3F9D];
	s0 =	simm.s32 @p0 $0x1  }
0x13: {  	[smem:$0x3FB8] =	sst s0;
	s0 =	simm.s32 @!p1 $0x0  }
0x14: {  	s2 =	sld [smem:$0x3F9C];
	s0 =	simm.s32 @p1 $0x1  }
0x15: {  	[smem:$0x3FB9] =	sst s0;
	s0 =	simm.s32 @!p2 $0x0  }
0x16: {  	s3 =	sld [smem:$0x3FDB];
	s0 =	simm.s32 @p2 $0x1  }
0x17: {  	s4 =	simm.s32 $0x1BF5;
	[smem:$0x3FBB] =	sst s0  }
0x18: {  	s0 =	sld [smem:$0x3F9E];
	_ =	swait.ge [sflag:s4], $0x0  }
0x19: {  	s7 =	sld [smem:$0x3F9F]  }
0x1a: {  	s8 =	sadd.s32 $0xFFFFE003, lr  }
0x1b: {  	s9 =	sadd.s32 $0xFFFFFEF7, lr;
	s5 =	simm.s32 $0xFFFFFFFF;
	p2 =	slt.u32 s8, $0xFFFFF086  }
0x1c: {  	p1 =	slt.u32 s9, $0xF7A;
	s5 =	simm.s32 @!p2 $0x0  }
0x1d: {  	s5 =	simm.s32 @p1 $0x1;
	p0 =	seq.s32 s7, s2  }
0x1e: {  	s7 =	smul.u32 @!p0 $0xF7A, s2;
	p2 =	seq.s32 @!p0 s5, $0x0  }
0x1f: {  	s9 =	smul.u32 $0xF7A, s1;
	s8 =	simm.s32 @!p0 $0x1BF5;
	p2 =	por !p2, p0  }
0x20: {  	[sflag:s8] =	ssyncset.s32 @!p0 $0xFFFFF086;
	s6 =	sadd.s32 @!p0 s3, s7;
	s7 =	simm.s32 @!p0 $0x108  }
0x21: {  	s3 =	sadd.s32 s3, s9;
	s6 =	sadd.s32 @!p0 $0x88, s6;
	s7 =	simm.s32 @p2 $0x1082  }
0x22: {  	[simem:s7], [sflag:s8] =	dma.local @!p0 [hbm:s6], $0xF7A  }
0x23: {  	s9 =	sor.u32 $0xD0000000, s2;
	s6 =	simm.s32 $0x108;
	_ =	swait.ge @!p0 [sflag:s8], $0x0  }
0x24: {  	s3 =	sadd.s32 $0x88, s3;
	s6 =	simm.s32 @!p1 $0x1082;
	[sflag:s4] =	ssyncset.s32 $0xFFFFF086  }
0x25: {  	[simem:s6], [sflag:s4] =	dma.local [hbm:s3], $0xF7A  }
0x26: {  	[smem:$0x3F9F] =	sst s1;
	(tag) =	ssettag s2;
	_ =	strace s9  }
0x27: {  	s1 =	sld [smem:$0x3FAF]  }
0x28: {  	s2 =	sld [smem:$0x3FB0]  }
0x29: {  	s4 =	sld [smem:$0x3FB2]  }
0x2a: {  	p0 =	seq.s32 s5, $0x0;
	s5 =	sld [smem:$0x3FB3]  }
0x2b: {  	s6 =	sld [smem:$0x3FB4]  }
0x2c: {  	s7 =	sld [smem:$0x3FB5]  }
0x2d: {  	s3 =	simm.s32 $0x108;
	s8 =	sld [smem:$0x3FB6]  }
0x2e: {  	s3 =	simm.s32 @!p0 $0x1082;
	s9 =	sld [smem:$0x3FB7]  }
0x2f: {  	lr =	sadd.s32 s0, s3;
	s0 =	sld [smem:$0x3FAE]  }
0x30: {  	s3 =	sld [smem:$0x3FB1]  }
0x31: {  	[smem:$0x3FBA] =	sst s10  }
0x32: {  	s10 =	sld [smem:$0x3FB8];
	_ =	sdelay $0x3  }
0x33: {  	p0 =	seq.s32 s10, $0x1;
	s10 =	sld [smem:$0x3FBA];
	_ =	sdelay $0x3  }
0x34: {  	[smem:$0x3FBA] =	sst s10  }
0x35: {  	s10 =	sld [smem:$0x3FB9];
	_ =	sdelay $0x3  }
0x36: {  	p1 =	seq.s32 s10, $0x1;
	s10 =	sld [smem:$0x3FBA];
	_ =	sdelay $0x3  }
0x37: {  	[smem:$0x3FBA] =	sst s10  }
0x38: {  	s10 =	sld [smem:$0x3FBB]  }
0x39: {  	_ = 	snop;
	(pc) =	sbr.ind lr, $3  }
0x3a: {  	_ = 	snop  }
0x3b: {  	_ = 	snop  }
0x3c: {  	p2 =	seq.s32 s10, $0x1;
	s10 =	sld [smem:$0x3FBA]  }
0x3d: {  	_ =	shalt  }
0x3e: {  	_ =	shalt  }
0x3f: {  	_ =	shalt  }
0x40: {  	_ =	shalt  }
0x41: {  	_ =	shalt  }
0x42: {  	_ =	shalt  }
0x43: {  	_ =	shalt  }
0x44: {  	_ =	shalt  }
0x45: {  	_ =	shalt  }
0x46: {  	_ =	shalt  }
0x47: {  	_ =	shalt  }
0x48: {  	_ =	shalt  }
0x49: {  	_ =	shalt  }
0x4a: {  	_ =	shalt  }
0x4b: {  	_ =	shalt  }
0x4c: {  	_ =	shalt  }
0x4d: {  	_ =	shalt  }
0x4e: {  	_ =	shalt  }
0x4f: {  	_ =	shalt  }
0x50: {  	_ =	shalt  }
0x51: {  	_ =	shalt  }
0x52: {  	_ =	shalt  }
0x53: {  	_ =	shalt  }
0x54: {  	_ =	shalt  }
0x55: {  	_ =	shalt  }
0x56: {  	_ =	shalt  }
0x57: {  	_ =	shalt  }
0x58: {  	_ =	shalt  }
0x59: {  	_ =	shalt  }
0x5a: {  	_ =	shalt  }
0x5b: {  	_ =	shalt  }
0x5c: {  	_ =	shalt  }
0x5d: {  	_ =	shalt  }
0x5e: {  	_ =	shalt  }
0x5f: {  	_ =	shalt  }
0x60: {  	_ =	shalt  }
0x61: {  	_ =	shalt  }
0x62: {  	_ =	shalt  }
0x63: {  	_ =	shalt  }
0x64: {  	_ =	shalt  }
0x65: {  	_ =	shalt  }
0x66: {  	_ =	shalt  }
0x67: {  	_ =	shalt  }
0x68: {  	_ =	shalt  }
0x69: {  	_ =	shalt  }
0x6a: {  	_ =	shalt  }
0x6b: {  	_ =	shalt  }
0x6c: {  	_ =	shalt  }
0x6d: {  	_ =	shalt  }
0x6e: {  	_ =	shalt  }
0x6f: {  	_ =	shalt  }
0x70: {  	_ =	shalt  }
0x71: {  	_ =	shalt  }
0x72: {  	_ =	shalt  }
0x73: {  	_ =	shalt  }
0x74: {  	_ =	shalt  }
0x75: {  	_ =	shalt  }
0x76: {  	_ =	shalt  }
0x77: {  	_ =	shalt  }
0x78: {  	_ =	shalt  }
0x79: {  	_ =	shalt  }
0x7a: {  	_ =	shalt  }
0x7b: {  	_ =	shalt  }
0x7c: {  	_ =	shalt  }
0x7d: {  	_ =	shalt  }
0x7e: {  	_ =	shalt  }
0x7f: {  	_ =	shalt  }
0x80: {  	_ =	shalt  }
0x81: {  	_ =	shalt  }
0x82: {  	_ =	shalt  }
0x83: {  	_ =	shalt  }
0x84: {  	_ =	shalt  }
0x85: {  	_ =	shalt  }
0x86: {  	_ =	shalt  }
0x87: {  	_ =	shalt  }
.Lfunc_end0:
.L_simem_size_0:
called_computation_lowered:
.L_overlay_start_0:
0x88: {  	s2 =	sld [smem:$0x3FD9]  }
0x89: {  	s3 =	sld [smem:$0x3FFE];
	_ =	sdelay $0x1  }
0x8a: {  	s1 =	srdreg.scid  }
0x8b: {  	s0 =	sand.u32 $0x1, s1  }
0x8c: {  	s15 =	sshll.u32 s0, $0xA;
	s2 =	sadd.s32 s3, s2  }
0x8d: {  	s2 =	sadd.s32 s2, s15  }
0x8e: {  	[smem:$0x3FC6] =	sst s2  }
0x8f: {  	_ = 	snop  }
0x90: {  	s2 =	sld [smem:$0x3FD0];
	_ =	sdelay $0x1  }
0x91: {  	s16 =	sld [smem:$0x3FC9]  }
0x92: {  	s5 =	simm.s32 $0xA;
	s6 =	simm.s32 $0x10;
	s4 =	sld [smem:$0x3FC8]  }
0x93: {  	[smem:s6], [sflag:s5] =	dma.local [hbm:s2], $0x1  }
0x94: {  	_ =	swait.eq [sflag:s5], $0x1  }
0x95: {  	[sflag:s5] =	ssyncset.done $0x0  }
0x96: {  	s17 =	sld [smem:$0x10];
	[sflag:s5] =	ssyncadd.s32 $0xFFFFFFFF  }
0x97: {  	s18 =	sld [smem:$0x11];
	(tm) =	ssettm $0x1  }
0x98: {  	s19 =	sld [smem:$0x3FFB];
	_ =	sdelay $0x3  }
0x99: {  	_ =	strace s19  }
0x9a: {  	s6 =	sld [smem:$0x3FFC];
	_ =	sdelay $0x3  }
0x9b: {  	_ =	strace s6  }
0x9c: {  	s6 =	sld [smem:$0x3FFD];
	_ =	sdelay $0x3  }
0x9d: {  	_ =	strace s6  }
0x9e: {  	_ =	strace $0x8FFFFFFF  }
0x9f: {  	s20 =	sld [smem:$0x3FDB];
	_ =	sdelay $0x1  }
0xa0: {  	s7 =	simm.s32 $_scs_section_size  }
0xa1: {  	s8 =	simm.s32 $_size__tile_overlayer_lowered;
	s9 =	simm.s32 $_tile_overlayer_lowered  }
0xa2: {  	s23 =	simm.s32 $0x1BFF;
	s22 =	sshll.u32 s9, $0x1;
	s6 =	sadd.s32 s7, s20  }
0xa3: {  	s10 =	simm.s32 $0x0;
	s21 =	sshll.u32 s8, $0x1;
	s8 =	sadd.s32 s22, s6  }
0xa4: {  	[timem:s10], [sflag:s23] =	dma.local [hbm:s8], s21  }
0xa5: {  	_ =	swait.ge [sflag:s23], s21  }
0xa6: {  	s7 =	ssub.s32 $0x0, s21;
	[sflag:s23] =	ssyncset.done $0x0  }
0xa7: {  	[sflag:s23] =	ssyncadd.s32 s7;
	_ =	sdelay $0x1  }
0xa8: {  	s24 =	simm.s32 $0x1B8B  }
0xa9: {  	_ =	swait.ge [sflag:s24], $0x1  }
0xaa: {  	[sflag:s24] =	ssyncset.done $0x0  }
0xab: {  	s25 =	simm.s32 $0x1B8E;
	[sflag:s24] =	ssyncadd.s32 $0xFFFFFFFF  }
0xac: {  	s26 =	simm.s32 $execute0_lowered;
	[smem:$0x3FD2] =	sst s25  }
0xad: {  	s7 =	sshll.u32 s26, $0x1;
	_ =	strace $0x80000046;
	[dreg:$0x1] =	wrdreg $0xFFFFFFFF  }
0xae: {  	s28 =	simm.s32 $_size_execute0_lowered;
	s6 =	sadd.s32 s6, s7;
	[dreg:$0x0] =	wrdreg $0x0  }
0xaf: {  	s7 =	sshll.u32 s28, $0x1;
	[dreg:$0x2] =	wrdreg s6  }
0xb0: {  	[dreg:$0x3] =	wrdreg s7  }
0xb1: {  	[dreg:$0x4] =	wrdreg $0xC0  }
0xb2: {  	_ =	task [dreg:s10], $0x5FFFF  }
0xb3: {  	[dreg:$0x1] =	wrdreg $0xFFFFFFFF  }
0xb4: {  	[dreg:$0x0] =	wrdreg $0x60  }
0xb5: {  	[dreg:$0x2] =	wrdreg s16  }
0xb6: {  	[dreg:$0x3] =	wrdreg s4  }
0xb7: {  	[dreg:$0x4] =	wrdreg s17  }
0xb8: {  	[dreg:$0x5] =	wrdreg s18  }
0xb9: {  	[dreg:$0x6] =	wrdreg $0x9  }
0xba: {  	_ =	task.clear_ibuf [dreg:s10], $0x7FFFF;
	_ =	strace $0x90000046  }
0xbb: {  	s29 =	simm.s32 $0x9;
	_ =	strace $0x80000048  }
0xbc: {  	_ =	swait.ge [sflag:s29], $0x1  }
0xbd: {  	[sflag:s29] =	ssyncadd.s32 $0xFFFFFFFF  }
0xbe: {  	_ =	strace $0x90000048  }
0xbf: {  	_ =	sfence  }
0xc0: {  	s30 =	sld [smem:$0x0];
	_ =	sdelay $0x2  }
0xc1: {  	s31 =	sshll.u32 s1, $0xD;
	s1 =	sshrl.u32 s1, $0x2  }
0xc2: {  	s3 =	sand.u32 $0x4000, s31;
	s1 =	sadd.s32 s1, s30  }
0xc3: {  	s0 =	sor.u32 s3, s0;
	s1 =	sshll.u32 s1, $0x11  }
0xc4: {  	s0 =	sor.u32 s1, s0  }
0xc5: {  	s0 =	sadd.s32 $0x8F2B, s0  }
0xc6: {  	[sflag:s0] =	ssyncadd.remote.s32 $0x1  }
0xc7: {  	_ =	sfence.sel $0xFFFF  }
0xc8: {  	[dreg:$0x0] =	wrdreg $0xFFFFFFFF;
	(pc) =	sbr.abs _section_cstart, $3  }
0xc9: {  	[dreg:$0x1] =	wrdreg $0xFFFFFFFF  }
0xca: {  	_ =	task.clear_ibuf [dreg:s10], $0x2FFFF;
	_ =	strace $0x9FFFFFFF  }
0xcb: {  	(tm) =	ssettm $0x7FFFFFFF  }
tec
execute0_lowered:
.L_overlay_start_1:
0x0: {  	(tag) =	ssettag $0x1  }
0x1: {  	s1 =	rddreg [dreg:$0x0]  }
0x2: {  	s2 =	rddreg [dreg:$0x1]  }
0x3: {  	s0 =	srdreg.scid;
	s4 =	rddreg [dreg:$0x2]  }
0x4: {  	s3 =	stileid.u32;
	s5 =	rddreg [dreg:$0x3];
	s6 =	simm.s32 $0x0  }
0x5: {  	s12 =	simm.s32 $0x80;
	s0 =	sand.u32 $0x1, s0;
	s3 =	sshll.u32 s3, $0x1  }
0x6: {  	s13 =	simm.s32 $0x400;
	s14 =	simm.s32 $0x3;
	s3 =	sor.u32 s0, s3  }
0x7: {  	s15 =	simm.s32 $0x1000;
	s18 =	simm.s32 $0x1;
	s7 =	smul.u32 $0xD, s3  }
0x8: {  	s19 =	simm.s32 $0xD380;
	s20 =	simm.s32 $0x2;
	s21 =	simm.s32 $0x0  }
0x9: {  	s0 =	ssub.s32 $0x2, s0;
	s3 =	smul.u32 $0x280, s3;
	s9 =	sshrl.u32 s7, $0x3  }
0xa: {  	[smem:$0x7FF] =	sst s6;
	s8 =	sshrl.u32 s0, $0x1;
	s30 =	smul.u32 $0xC3800, s9  }
0xb: {  	_ =	strace $0x80000047;
	s0 =	ssub.s32 s0, s8;
	s3 =	sand.u32 $0x380, s3  }
0xc: {  	s31 =	sshll.u32 s7, $0x5;
	s10 =	sand.u32 $0x70, s7;
	s3 =	sor.u32 s3, s30  }
0xd: {  	s9 =	sand.u32 $0x3000, s31;
	s10 =	sadd.s32 s1, s10;
	s3 =	sshrl.u32 s3, $0x3  }
0xe: {  	v0 =	vimm.f32 $1.000000000e+00;
	s8 =	sshrl.u32 s7, $0x4;
	s9 =	sadd.s32 s9, s10;
	s10 =	sadd.s32 s2, s3  }
0xf: {  	v0 =	vand.u32 $0x7FFFFFFF, v0;
	s11 =	smax.u32 s0, $0x1;
	[dreg:$0x5] =	wrdreg s9;
	s16 =	sadd.s32 $0x6200, s10  }
.LBB2_1:
0x10: {  	s0 =	rddreg [dreg:$0x5]  }
0x11: {  	[tilespmem:s6], [sflag:$0x3] =	stream.strided.gather [hbm4b:s0+s12], $0x1000, s13, s12, $0x38;
	[tilespmem:$0x1E700] =	vst v63  }
0x12: {  	_ =	swait.ge [sflag:s14], $0x1000  }
0x13: {  	[sflag:s14] =	ssyncset.done $0x0  }
0x14: {  	s31 =	simm.s32 $0x7200;
	[sflag:s14] =	ssyncadd.s32 $0xFFFFF000  }
0x15: {  	[tilespmem:s15], [sflag:$0x1] =	stream.strided.gather [hbm4b:s10+s12], $0x6200, s13, s12, $0x38;
	[tilespmem:$0x1E700] =	vst v63  }
0x16: {  	p0 =	por $0x0, $0x0;
	s23 =	smov.u32 s8;
	s22 =	simm.s32 $0x0  }
0x17: {  	[tilespmem:s31], [sflag:$0x1] =	stream.strided.gather [hbm4b:s16+s12], $0x6180, s13, s12, $0x38;
	[tilespmem:$0x1E700] =	vst v63  }
.LBB2_2:
0x18: {  	s24 =	sadd.s32 s7, s22  }
0x19: {  	s26 =	sshrl.u32 s24, $0x3  }
0x1a: {  	_ =	swait.ge [sflag:s18], $0x6200;
	s0 =	sshll.u32 s24, $0x7;
	s3 =	smul.u32 $0xC3800, s26  }
0x1b: {  	[sflag:s18] =	ssyncset.done $0x0;
	s25 =	sand.u32 $0x380, s0  }
0x1c: {  	[sflag:s18] =	ssyncadd.s32 $0xFFFF9E00;
	s0 =	sor.u32 s25, s3  }
0x1d: {  	_ =	swait.ge [sflag:s18], $0x6180;
	s0 =	sshrl.u32 s0, $0x3  }
0x1e: {  	[sflag:s18] =	ssyncset.done $0x0;
	s0 =	sadd.s32 s2, s0  }
0x1f: {  	s17 =	simm.s32 $0x80;
	[sflag:s18] =	ssyncadd.s32 $0xFFFF9E80;
	s0 =	sadd.s32 $0xC380, s0  }
0x20: {  	[tilespmem:s19], [sflag:$0x1] =	stream.strided.gather [hbm4b:s0+s17], $0xC380, s13, s17, $0x38;
	[tilespmem:$0x1E700] =	vst v63  }
0x21: {  	v1 =	vld [tilespmem:s17+$0x70]  }
0x22: {  	v2 =	vld [tilespmem:s17+$0xFFFFFF90]  }
0x23: {  	v3 =	vld [tilespmem:s17+$0xFFFFFFA0]  }
0x24: {  	v4 =	vld [tilespmem:s17+$0xFFFFFFB0]  }
0x25: {  	v5 =	vld [tilespmem:s17+$0xFFFFFFC0]  }
0x26: {  	v6 =	vld [tilespmem:s17+$0xFFFFFFD0]  }
0x27: {  	v7 =	vld [tilespmem:s17+$0xFFFFFFE0]  }
0x28: {  	v8 =	vld [tilespmem:s17+$0xFFFFFFF0]  }
0x29: {  	v9 =	vld [tilespmem:s17+$0x0]  }
0x2a: {  	v10 =	vld [tilespmem:s17+$0x10]  }
0x2b: {  	v11 =	vld [tilespmem:s17+$0x20];
	vm0 =	vlt.s32 v1, $0xC37F  }
0x2c: {  	v12 =	vld [tilespmem:s17+$0x30];
	vm14 =	vlt.s32 v2, $0xC37F;
	v1 =	vnsel vm0, $0xC37F, v1  }
0x2d: {  	v13 =	vld [tilespmem:s17+$0x40];
	vm15 =	vlt.s32 v3, $0xC37F;
	v2 =	vnsel vm14, $0xC37F, v2  }
0x2e: {  	v14 =	vld [tilespmem:s17+$0x50];
	vm4 =	vlt.s32 v4, $0xC37F;
	v3 =	vnsel vm15, $0xC37F, v3  }
0x2f: {  	v15 =	vld [tilespmem:s17+$0x60];
	vm5 =	vlt.s32 v5, $0xC37F;
	v4 =	vnsel vm4, $0xC37F, v4  }
0x30: {  	v16 =	vld [tilespmem:s17+$0xFFFFFF80];
	vm6 =	vlt.s32 v6, $0xC37F;
	v5 =	vnsel vm5, $0xC37F, v5  }
0x31: {  	vm7 =	vlt.s32 v7, $0xC37F;
	v6 =	vnsel vm6, $0xC37F, v6;
	v1 =	vld.idx.msk [tilespmem:v1+s15+$0x0], $0xffff  }
0x32: {  	vm8 =	vlt.s32 v8, $0xC37F;
	v7 =	vnsel vm7, $0xC37F, v7;
	v2 =	vld.idx.msk [tilespmem:v2+s15+$0x0], $0xffff  }
0x33: {  	vm9 =	vlt.s32 v9, $0xC37F;
	v8 =	vnsel vm8, $0xC37F, v8;
	v3 =	vld.idx.msk [tilespmem:v3+s15+$0x0], $0xffff  }
0x34: {  	vm10 =	vlt.s32 v10, $0xC37F;
	v9 =	vnsel vm9, $0xC37F, v9;
	v4 =	vld.idx.msk [tilespmem:v4+s15+$0x0], $0xffff  }
0x35: {  	vm11 =	vlt.s32 v11, $0xC37F;
	v10 =	vnsel vm10, $0xC37F, v10;
	v5 =	vld.idx.msk [tilespmem:v5+s15+$0x0], $0xffff  }
0x36: {  	s0 =	simm.s32 $0x19780;
	vm1 =	vlt.s32 v12, $0xC37F;
	v11 =	vnsel vm11, $0xC37F, v11;
	v6 =	vld.idx.msk [tilespmem:v6+s15+$0x0], $0xffff  }
0x37: {  	vm12 =	vlt.s32 v16, $0xC37F;
	v12 =	vnsel vm1, $0xC37F, v12;
	v7 =	vld.idx.msk [tilespmem:v7+s15+$0x0], $0xffff;
	[tilespmem:s0+$0x70] =	vst v1  }
0x38: {  	vm13 =	vlt.s32 v13, $0xC37F;
	v8 =	vld.idx.msk [tilespmem:v8+s15+$0x0], $0xffff;
	v1 =	vnsel vm12, $0xC37F, v16;
	[tilespmem:s0+$0xFFFFFF90] =	vst v2  }
0x39: {  	v13 =	vnsel vm13, $0xC37F, v13;
	vm14 =	vlt.s32 v14, $0xC37F;
	v9 =	vld.idx.msk [tilespmem:v9+s15+$0x0], $0xffff;
	[tilespmem:s0+$0xFFFFFFA0] =	vst v3  }
0x3a: {  	vm15 =	vlt.s32 v15, $0xC37F;
	v14 =	vnsel vm14, $0xC37F, v14;
	v10 =	vld.idx.msk [tilespmem:v10+s15+$0x0], $0xffff;
	[tilespmem:s0+$0xFFFFFFB0] =	vst v4  }
0x3b: {  	v15 =	vnsel vm15, $0xC37F, v15;
	[tilespmem:s0+$0xFFFFFFC0] =	vst v5;
	v2 =	vld.idx.msk [tilespmem:v11+s15+$0x0], $0xffff  }
0x3c: {  	s3 =	simm.s32 $0x1;
	[tilespmem:s0+$0xFFFFFFD0] =	vst v6;
	v3 =	vld.idx.msk [tilespmem:v12+s15+$0x0], $0xffff  }
0x3d: {  	s3 =	simm.s32 @!p0 $0x0;
	[tilespmem:s0+$0xFFFFFFE0] =	vst v7;
	v1 =	vld.idx.msk [tilespmem:v1+s15+$0x0], $0xffff  }
0x3e: {  	s3 =	sshll.u32 s3, $0x7;
	[tilespmem:s0+$0xFFFFFFF0] =	vst v8;
	v4 =	vld.idx.msk [tilespmem:v13+s15+$0x0], $0xffff  }
0x3f: {  	s28 =	sor.u32 $0x1C700, s3;
	s29 =	sor.u32 $0x1A700, s3;
	s30 =	sor.u32 $0x1C740, s3;
	[tilespmem:s0+$0x0] =	vst v9;
	v5 =	vld.idx.msk [tilespmem:v14+s15+$0x0], $0xffff  }
0x40: {  	s31 =	sor.u32 $0x1A740, s3;
	s3 =	simm.s32 $0x0;
	s17 =	simm.s32 $0x180;
	[tilespmem:s0+$0x10] =	vst v10;
	v6 =	vld.idx.msk [tilespmem:v15+s15+$0x0], $0xffff  }
.LBB2_3:
0x41: {  	v7 =	vld [tilespmem:s17+$0x70];
	s3 =	sadd.s32 $0x10, s3;
	[tilespmem:s0+$0x20] =	vst v2  }
0x42: {  	v2 =	vld [tilespmem:s17+$0xFFFFFF90];
	p1 =	slt.u32 s3, $0xF0;
	[tilespmem:s0+$0xFFFFFF80] =	vst v1  }
0x43: {  	v1 =	vld [tilespmem:s17+$0xFFFFFFA0];
	[tilespmem:s0+$0x30] =	vst v3  }
0x44: {  	v3 =	vld [tilespmem:s17+$0xFFFFFFB0];
	[tilespmem:s0+$0x40] =	vst v4  }
0x45: {  	v4 =	vld [tilespmem:s17+$0xFFFFFFC0];
	[tilespmem:s0+$0x50] =	vst v5  }
0x46: {  	v5 =	vld [tilespmem:s17+$0xFFFFFFD0];
	vm0 =	vlt.s32 v7, $0xC37F;
	[tilespmem:s0+$0x60] =	vst v6  }
0x47: {  	vm1 =	vlt.s32 v2, $0xC37F;
	v6 =	vld [tilespmem:s17+$0xFFFFFFE0];
	v7 =	vnsel vm0, $0xC37F, v7  }
0x48: {  	v2 =	vnsel vm1, $0xC37F, v2;
	vm0 =	vlt.s32 v1, $0xC37F;
	v8 =	vld [tilespmem:s17+$0xFFFFFFF0]  }
0x49: {  	v1 =	vnsel vm0, $0xC37F, v1;
	vm0 =	vlt.s32 v3, $0xC37F;
	v9 =	vld [tilespmem:s17+$0x0]  }
0x4a: {  	v3 =	vnsel vm0, $0xC37F, v3;
	vm0 =	vlt.s32 v4, $0xC37F;
	v10 =	vld [tilespmem:s17+$0x10]  }
0x4b: {  	v4 =	vnsel vm0, $0xC37F, v4;
	vm0 =	vlt.s32 v5, $0xC37F;
	v11 =	vld [tilespmem:s17+$0x20]  }
0x4c: {  	v5 =	vnsel vm0, $0xC37F, v5;
	vm0 =	vlt.s32 v6, $0xC37F;
	v7 =	vld.idx.msk [tilespmem:v7+s15+$0x0], $0xffff  }
0x4d: {  	v6 =	vnsel vm0, $0xC37F, v6;
	vm0 =	vlt.s32 v8, $0xC37F;
	v12 =	vld [tilespmem:s17+$0x30]  }
0x4e: {  	v8 =	vnsel vm0, $0xC37F, v8;
	vm0 =	vlt.s32 v9, $0xC37F;
	v13 =	vld [tilespmem:s17+$0x40]  }
0x4f: {  	v9 =	vnsel vm0, $0xC37F, v9;
	vm0 =	vlt.s32 v10, $0xC37F;
	v14 =	vld [tilespmem:s17+$0x50]  }
0x50: {  	v10 =	vnsel vm0, $0xC37F, v10;
	vm0 =	vlt.s32 v11, $0xC37F;
	v15 =	vld [tilespmem:s17+$0x60]  }
0x51: {  	s0 =	sadd.s32 $0x100, s0;
	v16 =	vld [tilespmem:s17+$0xFFFFFF80];
	v11 =	vnsel vm0, $0xC37F, v11  }
0x52: {  	v2 =	vld.idx.msk [tilespmem:v2+s15+$0x0], $0xffff;
	vm0 =	vlt.s32 v12, $0xC37F;
	[tilespmem:s0+$0x70] =	vst v7  }
0x53: {  	v1 =	vld.idx.msk [tilespmem:v1+s15+$0x0], $0xffff;
	v7 =	vnsel vm0, $0xC37F, v12;
	vm0 =	vlt.s32 v13, $0xC37F  }
0x54: {  	v3 =	vld.idx.msk [tilespmem:v3+s15+$0x0], $0xffff;
	v12 =	vnsel vm0, $0xC37F, v13;
	vm0 =	vlt.s32 v14, $0xC37F  }
0x55: {  	v4 =	vld.idx.msk [tilespmem:v4+s15+$0x0], $0xffff;
	v13 =	vnsel vm0, $0xC37F, v14;
	vm0 =	vlt.s32 v15, $0xC37F  }
0x56: {  	vm1 =	vlt.s32 v16, $0xC37F;
	v5 =	vld.idx.msk [tilespmem:v5+s15+$0x0], $0xffff;
	v14 =	vnsel vm0, $0xC37F, v15  }
0x57: {  	v15 =	vnsel vm1, $0xC37F, v16;
	v6 =	vld.idx.msk [tilespmem:v6+s15+$0x0], $0xffff  }
0x58: {  	[tilespmem:s0+$0xFFFFFF90] =	vst v2;
	v8 =	vld.idx.msk [tilespmem:v8+s15+$0x0], $0xffff  }
0x59: {  	[tilespmem:s0+$0xFFFFFFA0] =	vst v1;
	v9 =	vld.idx.msk [tilespmem:v9+s15+$0x0], $0xffff  }
0x5a: {  	[tilespmem:s0+$0xFFFFFFB0] =	vst v3;
	v10 =	vld.idx.msk [tilespmem:v10+s15+$0x0], $0xffff  }
0x5b: {  	[tilespmem:s0+$0xFFFFFFC0] =	vst v4;
	v2 =	vld.idx.msk [tilespmem:v11+s15+$0x0], $0xffff  }
.Ltmp0:
0x5c: {  	v1 =	vld.idx.msk [tilespmem:v15+s15+$0x0], $0xffff;
	[tilespmem:s0+$0xFFFFFFD0] =	vst v5;
	(pc) =	sbr.rel @p1 .LBB2_3-.Ltmp0, $4  }
0x5d: {  	[tilespmem:s0+$0xFFFFFFE0] =	vst v6;
	v3 =	vld.idx.msk [tilespmem:v7+s15+$0x0], $0xffff  }
0x5e: {  	[tilespmem:s0+$0xFFFFFFF0] =	vst v8;
	v4 =	vld.idx.msk [tilespmem:v12+s15+$0x0], $0xffff  }
0x5f: {  	[tilespmem:s0+$0x0] =	vst v9;
	v5 =	vld.idx.msk [tilespmem:v13+s15+$0x0], $0xffff  }
0x60: {  	s17 =	sadd.s32 $0x100, s17;
	[tilespmem:s0+$0x10] =	vst v10;
	v6 =	vld.idx.msk [tilespmem:v14+s15+$0x0], $0xffff  }
0x61: {  	[tilespmem:s0+$0x20] =	vst v2  }
0x62: {  	[tilespmem:s0+$0xFFFFFF80] =	vst v1;
	p1 =	seq.s32 s22, $0xC  }
0x63: {  	[tilespmem:s0+$0x30] =	vst v3;
	s3 =	sadd.s32 @!p1 $0x1, s24  }
0x64: {  	[tilespmem:s0+$0x40] =	vst v4;
	s17 =	sshrl.u32 @!p1 s3, $0x3  }
0x65: {  	s3 =	sshll.u32 @!p1 s3, $0x7;
	[tilespmem:s0+$0x50] =	vst v5;
	s17 =	smul.u32 @!p1 $0xC3800, s17  }
0x66: {  	[tilespmem:s0+$0x60] =	vst v6;
	s0 =	sand.u32 @!p1 $0x380, s3  }
0x67: {  	s9 =	simm.s32 @!p1 $0x1000;
	_ =	swait.ge [sflag:s18], $0xC380;
	s0 =	sor.u32 @!p1 s0, s17  }
0x68: {  	s3 =	simm.s32 @!p1 $0x80;
	[sflag:s18] =	ssyncset.done $0x0;
	s0 =	sshrl.u32 @!p1 s0, $0x3  }
0x69: {  	s17 =	simm.s32 @!p1 $0x400;
	[sflag:s18] =	ssyncadd.s32 $0xFFFF3C80;
	s0 =	sadd.s32 @!p1 s2, s0  }
0x6a: {  	[tilespmem:s9], [sflag:$0x1] =	stream.strided.gather @!p1 [hbm4b:s0+s3], $0x6200, s17, s3, $0x38;
	[tilespmem:$0x1E700] =	vst v63  }
0x6b: {  	p2 =	slt.u32 @!p1 s22, $0x2;
	s0 =	sadd.s32 @!p1 $0x6200, s0;
	s9 =	simm.s32 @!p1 $0x7200  }
0x6c: {  	[tilespmem:s9], [sflag:$0x1] =	stream.strided.gather @!p1 [hbm4b:s0+s3], $0x6180, s17, s3, $0x38;
	[tilespmem:$0x1E700] =	vst v63  }
0x6d: {  	p1 =	por p1, !p2  }
0x6e: {  	_ =	swait.ge @p1 [sflag:s20], $0x1000  }
0x6f: {  	[sflag:s20] =	ssyncset.done @p1 $0x0  }
0x70: {  	[sflag:s20] =	ssyncadd.s32 @p1 $0xFFFFF000  }
0x71: {  	_ =	swait.ge @p1 [sflag:s20], $0x1000  }
0x72: {  	[sflag:s20] =	ssyncset.done @p1 $0x0  }
0x73: {  	s17 =	simm.s32 $0x40;
	[sflag:s20] =	ssyncadd.s32 @p1 $0xFFFFF000  }
0x74: {  	v1 =	vld [tilespmem:s17+$0x30]  }
0x75: {  	v2 =	vld [tilespmem:s17+$0xFFFFFFD0]  }
0x76: {  	v5 =	vld [tilespmem:s17+$0xFFFFFFF0]  }
0x77: {  	v3 =	vld [tilespmem:s17+$0xFFFFFFE0]  }
0x78: {  	v6 =	vld [tilespmem:s17+$0xFFFFFFC0]  }
0x79: {  	v7 =	vld [tilespmem:s17+$0x0];
	v4 =	vadd.s32 $0xFFFF3C80, v1  }
0x7a: {  	v8 =	vld [tilespmem:s17+$0x10];
	v9 =	vadd.s32 $0xFFFF3C80, v2;
	vm0 =	vgt.s32 v4, $0x0  }
0x7b: {  	v11 =	vld [tilespmem:s17+$0x20];
	v12 =	vadd.s32 $0xFFFF3C80, v5;
	vm6 =	vgt.s32 v9, $0x0;
	v4 =	vnsel vm0, $0x0, v4  }
0x7c: {  	vm7 =	vgt.s32 v12, $0x0;
	v9 =	vnsel vm6, $0x0, v9;
	v4 =	vmin.u32 v4, $0xC31F  }
0x7d: {  	s3 =	simm.s32 $0x19740;
	v12 =	vnsel vm7, $0x0, v12;
	v9 =	vmin.u32 v9, $0xC31F  }
0x7e: {  	v15 =	vld [tilespmem:s3+$0x30];
	v10 =	vadd.s32 $0xFFFF3C80, v3;
	v13 =	vadd.s32 $0xFFFF3C80, v6;
	v12 =	vmin.u32 v12, $0xC31F  }
0x7f: {  	v19 =	vld [tilespmem:s3+$0xFFFFFFD0];
	v14 =	vadd.s32 $0xFFFF3C80, v7;
	v16 =	vadd.s32 $0xFFFF3C80, v8;
	vm1 =	vgt.s32 v10, $0x0  }
0x80: {  	v21 =	vld [tilespmem:s3+$0xFFFFFFF0];
	v18 =	vadd.s32 $0xFFFF3C80, v11;
	vm11 =	vgt.s32 v1, $0xC37F;
	v10 =	vnsel vm1, $0x0, v10  }
0x81: {  	vm12 =	vgt.s32 v2, $0xC37F;
	vm8 =	vgt.s32 v13, $0x0;
	v10 =	vmin.u32 v10, $0xC31F;
	v4 =	vld.idx.msk [tilespmem:v4+s19+$0x0], $0xffff  }
0x82: {  	vm13 =	vgt.s32 v6, $0xC37F;
	vm10 =	vgt.s32 v18, $0x0;
	v13 =	vnsel vm8, $0x0, v13;
	v9 =	vld.idx.msk [tilespmem:v9+s19+$0x0], $0xffff  }
0x83: {  	vm14 =	vgt.s32 v3, $0xC37F;
	v1 =	vnsel vm10, $0x0, v18;
	v13 =	vmin.u32 v13, $0xC31F;
	v2 =	vld.idx.msk [tilespmem:v12+s19+$0x0], $0xffff  }
0x84: {  	vm3 =	vgt.s32 v5, $0xC37F;
	vm2 =	vgt.s32 v14, $0x0;
	v1 =	vmin.u32 v1, $0xC31F  }
0x85: {  	v20 =	vld [tilespmem:s3+$0xFFFFFFE0];
	vm4 =	vgt.s32 v7, $0xC37F;
	vm9 =	vgt.s32 v16, $0x0;
	v14 =	vnsel vm2, $0x0, v14  }
0x86: {  	vm5 =	vgt.s32 v8, $0xC37F;
	v16 =	vnsel vm9, $0x0, v16;
	v14 =	vmin.u32 v14, $0xC31F;
	v10 =	vld.idx.msk [tilespmem:v10+s19+$0x0], $0xffff  }
0x87: {  	vm6 =	vgt.s32 v11, $0xC37F;
	v16 =	vmin.u32 v16, $0xC31F;
	v15 =	vsel vm11, v4, v15  }
0x88: {  	v4 =	vld.idx.msk [tilespmem:v13+s19+$0x0], $0xffff;
	v6 =	vsel vm12, v9, v19;
	v2 =	vsel vm3, v2, v21;
	v13 =	vand.u32 $0x7FFFFFFF, v15  }
0x89: {  	v8 =	vld.idx.msk [tilespmem:v1+s19+$0x0], $0xffff;
	v1 =	vand.u32 $0x7FFFFFFF, v6;
	v18 =	vand.u32 $0x7FFFFFFF, v2;
	v59 =	vand.u32 $0x80000000, v15  }
0x8a: {  	v17 =	vld [tilespmem:s3+$0xFFFFFFC0];
	vm15 =	veq.f32 v15, $0.0e+00;
	v13 =	vmax.f32 v13, $1.175494350e-38;
	v11 =	vmax.f32 v1, $1.175494350e-38  }
0x8b: {  	v3 =	vld.idx.msk [tilespmem:v14+s19+$0x0], $0xffff;
	v1 =	vsel vm14, v10, v20;
	v18 =	vmax.f32 v18, $1.175494350e-38;
	v12 =	vand.u32 $0x7FFFFF, v13  }
0x8c: {  	v14 =	vld.idx.msk [tilespmem:v16+s19+$0x0], $0xffff;
	v16 =	vand.u32 $0x7FFFFFFF, v1;
	v21 =	vand.u32 $0x7FFFFF, v11;
	v13 =	vshrl.u32 v13, $0x17  }
0x8d: {  	v11 =	vshrl.u32 v11, $0x17;
	v12 =	vor.u32 $0x3F800000, v12;
	v16 =	vmax.f32 v16, $1.175494350e-38  }
0x8e: {  	v21 =	vor.u32 $0x3F800000, v21;
	v13 =	vadd.s32 $0xFFFFFF81, v13;
	v11 =	vadd.s32 $0xFFFFFF81, v11  }
0x8f: {  	v5 =	vmul.f32 $4.392862690e-02, v12;
	v7 =	vsel vm13, v4, v17;
	v22 =	vand.u32 $0x7FFFFF, v16  }
0x90: {  	v10 =	vld [tilespmem:s3+$0x10];
	v27 =	vmul.f32 $4.392862690e-02, v21;
	v13 =	vcvt.s32.f32 v13;
	v16 =	vshrl.u32 v16, $0x17  }
0x91: {  	v4 =	vld [tilespmem:s3+$0x0];
	v11 =	vcvt.s32.f32 v11;
	v9 =	vand.u32 $0x7FFFFFFF, v7;
	v5 =	vadd.f32 $-4.094755950e-01, v5  }
0x92: {  	v22 =	vor.u32 $0x3F800000, v22;
	v9 =	vmax.f32 v9, $1.175494350e-38;
	v27 =	vadd.f32 $-4.094755950e-01, v27  }
0x93: {  	v19 =	vand.u32 $0x7FFFFF, v9;
	v9 =	vshrl.u32 v9, $0x17;
	v5 =	vmul.f32 v12, v5  }
0x94: {  	v17 =	vld [tilespmem:s3+$0x20];
	v19 =	vor.u32 $0x3F800000, v19;
	v15 =	vmul.f32 v21, v27;
	v9 =	vadd.s32 $0xFFFFFF81, v9  }
0x95: {  	v16 =	vadd.s32 $0xFFFFFF81, v16;
	v26 =	vmul.f32 $4.392862690e-02, v19;
	v9 =	vcvt.s32.f32 v9  }
0x96: {  	v20 =	vadd.f32 $1.610177520e+00, v5;
	v5 =	vsel vm4, v3, v4;
	v4 =	vsel vm5, v14, v10  }
0x97: {  	v15 =	vadd.f32 $1.610177520e+00, v15;
	v3 =	vand.u32 $0x7FFFFFFF, v5;
	v26 =	vadd.f32 $-4.094755950e-01, v26  }
0x98: {  	v10 =	vmul.f32 v12, v20;
	v14 =	vmax.f32 v3, $1.175494350e-38;
	v20 =	vand.u32 $0x7FFFFFFF, v4  }
0x99: {  	v3 =	vsel vm6, v8, v17;
	v15 =	vmul.f32 v21, v15;
	v8 =	vmax.f32 v20, $1.175494350e-38  }
0x9a: {  	v17 =	vand.u32 $0x7FFFFFFF, v3;
	v20 =	vand.u32 $0x7FFFFF, v18;
	v23 =	vand.u32 $0x7FFFFF, v14  }
0x9b: {  	v18 =	vshrl.u32 v18, $0x17;
	v14 =	vshrl.u32 v14, $0x17;
	v10 =	vadd.f32 $-3.520218850e+00, v10  }
0x9c: {  	v17 =	vmax.f32 v17, $1.175494350e-38;
	v24 =	vand.u32 $0x7FFFFF, v8;
	v20 =	vor.u32 $0x3F800000, v20  }
0x9d: {  	v23 =	vor.u32 $0x3F800000, v23;
	v15 =	vadd.f32 $-3.520218850e+00, v15;
	v8 =	vshrl.u32 v8, $0x17  }
0x9e: {  	v18 =	vadd.s32 $0xFFFFFF81, v18;
	v14 =	vadd.s32 $0xFFFFFF81, v14;
	v25 =	vand.u32 $0x7FFFFF, v17  }
0x9f: {  	v24 =	vor.u32 $0x3F800000, v24;
	v28 =	vmul.f32 $4.392862690e-02, v20;
	v29 =	vmul.f32 $4.392862690e-02, v23  }
0xa0: {  	v17 =	vshrl.u32 v17, $0x17;
	v8 =	vadd.s32 $0xFFFFFF81, v8;
	v10 =	vmul.f32 v12, v10  }
0xa1: {  	v63 =	vcvt.s32.f32 v18;
	v14 =	vcvt.s32.f32 v14;
	v25 =	vor.u32 $0x3F800000, v25  }
0xa2: {  	v30 =	vmul.f32 $4.392862690e-02, v24;
	v15 =	vmul.f32 v21, v15;
	v10 =	vadd.f32 $5.069756510e+00, v10  }
0xa3: {  	v17 =	vadd.s32 $0xFFFFFF81, v17;
	v8 =	vcvt.s32.f32 v8;
	v31 =	vmul.f32 $4.392862690e-02, v25  }
0xa4: {  	v57 =	vadd.f32 $-4.094755950e-01, v28;
	v58 =	vadd.f32 $-4.094755950e-01, v29;
	v10 =	vmul.f32 v12, v10  }
0xa5: {  	v29 =	vor.u32 v59, v0;
	v30 =	vadd.f32 $-4.094755950e-01, v30;
	v12 =	vmul.f32 $4.392862690e-02, v22  }
0xa6: {  	v29 =	vsel vm15, $0x0, v29;
	v15 =	vadd.f32 $5.069756510e+00, v15;
	v10 =	vadd.f32 $-2.794153690e+00, v10  }
0xa7: {  	v60 =	vadd.f32 $-4.094755950e-01, v31;
	v28 =	vmul.f32 v23, v58;
	v12 =	vadd.f32 $-4.094755950e-01, v12  }
0xa8: {  	v30 =	vmul.f32 v24, v30;
	v10 =	vadd.f32 v13, v10;
	v13 =	vmul.f32 v19, v26  }
0xa9: {  	v27 =	vmul.f32 v25, v60;
	v28 =	vadd.f32 $1.610177520e+00, v28;
	v12 =	vmul.f32 v22, v12  }
0xaa: {  	v30 =	vadd.f32 $1.610177520e+00, v30;
	v26 =	vmul.f32 v20, v57;
	v13 =	vadd.f32 $1.610177520e+00, v13  }
0xab: {  	v15 =	vmul.f32 v21, v15;
	v27 =	vadd.f32 $1.610177520e+00, v27;
	v12 =	vadd.f32 $1.610177520e+00, v12  }
0xac: {  	v30 =	vmul.f32 v24, v30;
	v26 =	vadd.f32 $1.610177520e+00, v26;
	v13 =	vmul.f32 v19, v13  }
0xad: {  	v15 =	vadd.f32 $-2.794153690e+00, v15;
	v27 =	vmul.f32 v25, v27;
	v12 =	vmul.f32 v22, v12  }
0xae: {  	v30 =	vadd.f32 $-3.520218850e+00, v30;
	v26 =	vmul.f32 v20, v26;
	v13 =	vadd.f32 $-3.520218850e+00, v13  }
0xaf: {  	v28 =	vmul.f32 v23, v28;
	v27 =	vadd.f32 $-3.520218850e+00, v27;
	v12 =	vadd.f32 $-3.520218850e+00, v12  }
0xb0: {  	v30 =	vmul.f32 v24, v30;
	v26 =	vadd.f32 $-3.520218850e+00, v26;
	v13 =	vmul.f32 v19, v13  }
0xb1: {  	v28 =	vadd.f32 $-3.520218850e+00, v28;
	v27 =	vmul.f32 v25, v27;
	v12 =	vmul.f32 v22, v12  }
0xb2: {  	v21 =	vadd.f32 $5.069756510e+00, v30;
	v26 =	vmul.f32 v20, v26;
	v13 =	vadd.f32 $5.069756510e+00, v13  }
0xb3: {  	v28 =	vmul.f32 v23, v28;
	v27 =	vadd.f32 $5.069756510e+00, v27;
	v12 =	vadd.f32 $5.069756510e+00, v12  }
0xb4: {  	v21 =	vmul.f32 v24, v21;
	v13 =	vmul.f32 v19, v13;
	v19 =	vadd.f32 $5.069756510e+00, v26  }
0xb5: {  	v10 =	vmul.f32 $6.931471820e-01, v10;
	v61 =	vadd.f32 $5.069756510e+00, v28;
	v12 =	vmul.f32 v22, v12  }
0xb6: {  	v21 =	vadd.f32 $-2.794153690e+00, v21;
	v22 =	vmul.f32 v25, v27;
	v19 =	vmul.f32 v20, v19  }
0xb7: {  	v20 =	vmul.f32 v23, v61;
	v13 =	vadd.f32 $-2.794153690e+00, v13;
	v12 =	vadd.f32 $-2.794153690e+00, v12  }
0xb8: {  	[tilespmem:s31+$0x30] =	vst v10;
	v10 =	vand.u32 $0x80000000, v1;
	v22 =	vadd.f32 $-2.794153690e+00, v22;
	v19 =	vadd.f32 $-2.794153690e+00, v19  }
0xb9: {  	v23 =	vcvt.s32.f32 v16;
	v62 =	vadd.f32 $-2.794153690e+00, v20;
	v16 =	vadd.f32 v9, v13  }
0xba: {  	v9 =	vcvt.s32.f32 v17;
	v13 =	vand.u32 $0x80000000, v7;
	v20 =	vadd.f32 v11, v15  }
0xbb: {  	v18 =	vadd.f32 v23, v12;
	v11 =	vand.u32 $0x80000000, v6;
	v17 =	vadd.f32 v8, v21  }
0xbc: {  	v12 =	vand.u32 $0x80000000, v2;
	v8 =	vand.u32 $0x80000000, v4;
	v19 =	vadd.f32 v63, v19  }
0xbd: {  	s0 =	simm.s32 $0x0;
	s17 =	simm.s32 $0xC0;
	[tilespmem:s30+$0x30] =	vst v29;
	v15 =	vadd.f32 v14, v62;
	v14 =	vadd.f32 v9, v22;
	v9 =	vand.u32 $0x80000000, v5  }
.LBB2_5:
0xbe: {  	v21 =	vld [tilespmem:s17+$0x30];
	v16 =	vmul.f32 $6.931471820e-01, v16;
	v20 =	vmul.f32 $6.931471820e-01, v20;
	v22 =	vand.u32 $0x80000000, v3  }
0xbf: {  	s0 =	sadd.s32 $0x8, s0;
	v13 =	vor.u32 v13, v0;
	v18 =	vmul.f32 $6.931471820e-01, v18;
	v19 =	vmul.f32 $6.931471820e-01, v19;
	v23 =	vld [tilespmem:s17+$0xFFFFFFD0]  }
0xc0: {  	v11 =	vor.u32 v11, v0;
	v15 =	vmul.f32 $6.931471820e-01, v15;
	p1 =	slt.u32 s0, $0xF8;
	v24 =	vld [tilespmem:s17+$0xFFFFFFE0];
	[tilespmem:s31+$0xFFFFFFC0] =	vst v16;
	v16 =	vmul.f32 $6.931471820e-01, v17  }
0xc1: {  	v10 =	vor.u32 v10, v0;
	v12 =	vor.u32 v12, v0;
	v14 =	vmul.f32 $6.931471820e-01, v14;
	v17 =	vld [tilespmem:s17+$0xFFFFFFF0];
	[tilespmem:s31+$0xFFFFFFD0] =	vst v20  }
0xc2: {  	v9 =	vor.u32 v9, v0;
	v8 =	vor.u32 v8, v0;
	v20 =	vld [tilespmem:s17+$0x0];
	[tilespmem:s31+$0xFFFFFFE0] =	vst v18;
	v18 =	vor.u32 v22, v0  }
0xc3: {  	vm2 =	veq.f32 v7, $0.0e+00;
	vm1 =	veq.f32 v6, $0.0e+00;
	v22 =	vld [tilespmem:s17+$0x10];
	v25 =	vadd.s32 $0xFFFF3C80, v21;
	[tilespmem:s31+$0xFFFFFFF0] =	vst v19  }
0xc4: {  	vm0 =	vgt.s32 v23, $0xC37F;
	v6 =	vadd.s32 $0xFFFF3C80, v23;
	v7 =	vld [tilespmem:s17+$0x20];
	vm3 =	vgt.s32 v25, $0x0;
	[tilespmem:s31+$0x0] =	vst v15  }
0xc5: {  	v15 =	vld [tilespmem:s17+$0xFFFFFFC0];
	vm4 =	vgt.s32 v6, $0x0;
	v19 =	vadd.s32 $0xFFFF3C80, v24;
	v23 =	vnsel vm3, $0x0, v25;
	[tilespmem:s31+$0x10] =	vst v16  }
0xc6: {  	vm3 =	vgt.s32 v19, $0x0;
	v16 =	vadd.s32 $0xFFFF3C80, v17;
	v23 =	vmin.u32 v23, $0xC31F;
	[tilespmem:s31+$0x20] =	vst v14  }
0xc7: {  	v6 =	vnsel vm4, $0x0, v6;
	vm4 =	vgt.s32 v16, $0x0;
	v14 =	vadd.s32 $0xFFFF3C80, v20  }
0xc8: {  	v19 =	vnsel vm3, $0x0, v19;
	vm3 =	vgt.s32 v14, $0x0;
	v25 =	vadd.s32 $0xFFFF3C80, v22  }
0xc9: {  	v16 =	vnsel vm4, $0x0, v16;
	vm4 =	vgt.s32 v25, $0x0;
	v26 =	vadd.s32 $0xFFFF3C80, v7  }
0xca: {  	v14 =	vnsel vm3, $0x0, v14;
	v27 =	vadd.s32 $0xFFFF3C80, v15;
	vm3 =	vgt.s32 v26, $0x0  }
0xcb: {  	s3 =	sadd.s32 $0x80, s3;
	v25 =	vnsel vm4, $0x0, v25;
	vm5 =	vgt.s32 v27, $0x0;
	v26 =	vnsel vm3, $0x0, v26;
	v23 =	vld.idx.msk [tilespmem:v23+s19+$0x0], $0xffff  }
0xcc: {  	v6 =	vmin.u32 v6, $0xC31F;
	v19 =	vmin.u32 v19, $0xC31F;
	v27 =	vnsel vm5, $0x0, v27;
	v28 =	vld [tilespmem:s3+$0x30]  }
0xcd: {  	v16 =	vmin.u32 v16, $0xC31F;
	v14 =	vmin.u32 v14, $0xC31F;
	v27 =	vmin.u32 v27, $0xC31F;
	v29 =	vld [tilespmem:s3+$0xFFFFFFC0]  }
0xce: {  	vm8 =	vgt.s32 v15, $0xC37F;
	v25 =	vmin.u32 v25, $0xC31F;
	v26 =	vmin.u32 v26, $0xC31F;
	v15 =	vld [tilespmem:s3+$0xFFFFFFD0]  }
0xcf: {  	vm7 =	vgt.s32 v24, $0xC37F;
	vm6 =	vgt.s32 v17, $0xC37F;
	vm4 =	vgt.s32 v20, $0xC37F;
	v24 =	vld [tilespmem:s3+$0xFFFFFFE0]  }
0xd0: {  	vm9 =	vgt.s32 v21, $0xC37F;
	vm3 =	vgt.s32 v7, $0xC37F;
	vm5 =	vgt.s32 v22, $0xC37F;
	v17 =	vld [tilespmem:s3+$0xFFFFFFF0]  }
0xd1: {  	vm10 =	veq.f32 v2, $0.0e+00;
	v6 =	vld.idx.msk [tilespmem:v6+s19+$0x0], $0xffff;
	v20 =	vsel vm9, v23, v28;
	vm9 =	veq.f32 v1, $0.0e+00  }
0xd2: {  	vm11 =	veq.f32 v5, $0.0e+00;
	vm12 =	veq.f32 v4, $0.0e+00;
	v1 =	vld.idx.msk [tilespmem:v27+s19+$0x0], $0xffff;
	v2 =	vand.u32 $0x7FFFFFFF, v20  }
0xd3: {  	v4 =	vld.idx.msk [tilespmem:v19+s19+$0x0], $0xffff;
	v19 =	vmax.f32 v2, $1.175494350e-38;
	v2 =	vsel vm2, $0x0, v13;
	vm2 =	veq.f32 v3, $0.0e+00  }
0xd4: {  	v7 =	vsel vm9, $0x0, v10;
	v3 =	vld.idx.msk [tilespmem:v16+s19+$0x0], $0xffff;
	v5 =	vand.u32 $0x7FFFFF, v19;
	[tilespmem:s30+$0xFFFFFFC0] =	vst v2;
	v2 =	vsel vm1, $0x0, v11  }
0xd5: {  	v11 =	vld.idx.msk [tilespmem:v14+s19+$0x0], $0xffff;
	v13 =	vor.u32 $0x3F800000, v5;
	[tilespmem:s30+$0xFFFFFFD0] =	vst v2;
	v2 =	vsel vm10, $0x0, v12;
	v5 =	vsel vm11, $0x0, v9  }
0xd6: {  	v10 =	vsel vm12, $0x0, v8;
	v14 =	vsel vm2, $0x0, v18;
	v12 =	vld.idx.msk [tilespmem:v25+s19+$0x0], $0xffff;
	v9 =	vmul.f32 $4.392862690e-02, v13;
	[tilespmem:s30+$0xFFFFFFE0] =	vst v7  }
0xd7: {  	v6 =	vsel vm0, v6, v15;
	v15 =	vld.idx.msk [tilespmem:v26+s19+$0x0], $0xffff;
	[tilespmem:s30+$0xFFFFFFF0] =	vst v2  }
0xd8: {  	v7 =	vsel vm8, v1, v29;
	v1 =	vand.u32 $0x7FFFFFFF, v6;
	v16 =	vld [tilespmem:s3+$0x0];
	v9 =	vadd.f32 $-4.094755950e-01, v9;
	[tilespmem:s30+$0x0] =	vst v5  }
0xd9: {  	v5 =	vand.u32 $0x7FFFFFFF, v7;
	v8 =	vmax.f32 v1, $1.175494350e-38;
	v1 =	vsel vm7, v4, v24;
	v4 =	vld [tilespmem:s3+$0x10];
	[tilespmem:s30+$0x10] =	vst v10  }
0xda: {  	v10 =	vand.u32 $0x7FFFFFFF, v1;
	v2 =	vsel vm6, v3, v17;
	v3 =	vld [tilespmem:s3+$0x20];
	v17 =	vmul.f32 v13, v9;
	[tilespmem:s30+$0x20] =	vst v14  }
0xdb: {  	v14 =	vmax.f32 v5, $1.175494350e-38;
	v9 =	vmax.f32 v10, $1.175494350e-38;
	v5 =	vand.u32 $0x7FFFFFFF, v2  }
0xdc: {  	v18 =	vand.u32 $0x7FFFFF, v14;
	v10 =	vmax.f32 v5, $1.175494350e-38;
	v17 =	vadd.f32 $1.610177520e+00, v17  }
0xdd: {  	v21 =	vand.u32 $0x7FFFFF, v8;
	v22 =	vand.u32 $0x7FFFFF, v9;
	v5 =	vsel vm4, v11, v16  }
0xde: {  	v11 =	vand.u32 $0x7FFFFFFF, v5;
	v4 =	vsel vm5, v12, v4;
	v16 =	vmul.f32 v13, v17  }
0xdf: {  	v11 =	vmax.f32 v11, $1.175494350e-38;
	v12 =	vand.u32 $0x7FFFFFFF, v4;
	v3 =	vsel vm3, v15, v3  }
0xe0: {  	v12 =	vmax.f32 v12, $1.175494350e-38;
	v15 =	vand.u32 $0x7FFFFFFF, v3;
	v16 =	vadd.f32 $-3.520218850e+00, v16  }
0xe1: {  	v17 =	vand.u32 $0x7FFFFF, v10;
	v23 =	vand.u32 $0x7FFFFF, v11;
	v15 =	vmax.f32 v15, $1.175494350e-38  }
0xe2: {  	v24 =	vand.u32 $0x7FFFFF, v12;
	v25 =	vand.u32 $0x7FFFFF, v15;
	v16 =	vmul.f32 v13, v16  }
0xe3: {  	v21 =	vor.u32 $0x3F800000, v21;
	v18 =	vor.u32 $0x3F800000, v18;
	v22 =	vor.u32 $0x3F800000, v22  }
0xe4: {  	v17 =	vor.u32 $0x3F800000, v17;
	v23 =	vor.u32 $0x3F800000, v23;
	v16 =	vadd.f32 $5.069756510e+00, v16  }
0xe5: {  	v26 =	vmul.f32 $4.392862690e-02, v18;
	v24 =	vor.u32 $0x3F800000, v24;
	v25 =	vor.u32 $0x3F800000, v25  }
0xe6: {  	v19 =	vshrl.u32 v19, $0x17;
	v27 =	vmul.f32 $4.392862690e-02, v21;
	v13 =	vmul.f32 v13, v16  }
0xe7: {  	v19 =	vadd.s32 $0xFFFFFF81, v19;
	v28 =	vmul.f32 $4.392862690e-02, v17;
	v16 =	vmul.f32 $4.392862690e-02, v22  }
0xe8: {  	v19 =	vcvt.s32.f32 v19;
	v29 =	vmul.f32 $4.392862690e-02, v23;
	v13 =	vadd.f32 $-2.794153690e+00, v13  }
0xe9: {  	v26 =	vadd.f32 $-4.094755950e-01, v26;
	v30 =	vmul.f32 $4.392862690e-02, v24;
	v31 =	vmul.f32 $4.392862690e-02, v25  }
0xea: {  	v14 =	vshrl.u32 v14, $0x17;
	v27 =	vadd.f32 $-4.094755950e-01, v27;
	v13 =	vadd.f32 v19, v13  }
0xeb: {  	v16 =	vadd.f32 $-4.094755950e-01, v16;
	v19 =	vmul.f32 v18, v26;
	v26 =	vadd.f32 $-4.094755950e-01, v28  }
0xec: {  	v28 =	vadd.f32 $-4.094755950e-01, v29;
	v29 =	vand.u32 $0x80000000, v20;
	v13 =	vmul.f32 $6.931471820e-01, v13  }
0xed: {  	s31 =	sadd.s32 $0x100, s31;
	vm0 =	veq.f32 v20, $0.0e+00;
	v30 =	vadd.f32 $-4.094755950e-01, v30;
	v29 =	vor.u32 v29, v0  }
0xee: {  	s30 =	sadd.s32 $0x100, s30;
	v20 =	vmul.f32 v21, v27;
	v27 =	vadd.f32 $-4.094755950e-01, v31;
	v29 =	vsel vm0, $0x0, v29;
	[tilespmem:s31+$0x30] =	vst v13  }
0xef: {  	v16 =	vmul.f32 v22, v16;
	v13 =	vadd.f32 $1.610177520e+00, v19;
	v19 =	vmul.f32 v17, v26;
	[tilespmem:s30+$0x30] =	vst v29  }
0xf0: {  	v20 =	vadd.f32 $1.610177520e+00, v20;
	v26 =	vmul.f32 v23, v28;
	v28 =	vmul.f32 v24, v30  }
0xf1: {  	v16 =	vadd.f32 $1.610177520e+00, v16;
	v27 =	vmul.f32 v25, v27;
	v19 =	vadd.f32 $1.610177520e+00, v19  }
0xf2: {  	v13 =	vmul.f32 v18, v13;
	v26 =	vadd.f32 $1.610177520e+00, v26;
	v28 =	vadd.f32 $1.610177520e+00, v28  }
0xf3: {  	v20 =	vmul.f32 v21, v20;
	v16 =	vmul.f32 v22, v16;
	v27 =	vadd.f32 $1.610177520e+00, v27  }
0xf4: {  	v13 =	vadd.f32 $-3.520218850e+00, v13;
	v19 =	vmul.f32 v17, v19;
	v26 =	vmul.f32 v23, v26  }
0xf5: {  	v20 =	vadd.f32 $-3.520218850e+00, v20;
	v27 =	vmul.f32 v25, v27;
	v28 =	vmul.f32 v24, v28  }
0xf6: {  	v16 =	vadd.f32 $-3.520218850e+00, v16;
	v13 =	vmul.f32 v18, v13;
	v19 =	vadd.f32 $-3.520218850e+00, v19  }
0xf7: {  	v20 =	vmul.f32 v21, v20;
	v26 =	vadd.f32 $-3.520218850e+00, v26;
	v28 =	vadd.f32 $-3.520218850e+00, v28  }
0xf8: {  	v16 =	vmul.f32 v22, v16;
	v27 =	vadd.f32 $-3.520218850e+00, v27;
	v19 =	vmul.f32 v17, v19  }
0xf9: {  	v13 =	vadd.f32 $5.069756510e+00, v13;
	v26 =	vmul.f32 v23, v26;
	v28 =	vmul.f32 v24, v28  }
0xfa: {  	v20 =	vadd.f32 $5.069756510e+00, v20;
	v16 =	vadd.f32 $5.069756510e+00, v16;
	v27 =	vmul.f32 v25, v27  }
0xfb: {  	v13 =	vmul.f32 v18, v13;
	v18 =	vadd.f32 $5.069756510e+00, v19;
	v19 =	vadd.f32 $5.069756510e+00, v26  }
0xfc: {  	v20 =	vmul.f32 v21, v20;
	v21 =	vadd.f32 $5.069756510e+00, v28;
	v26 =	vadd.f32 $5.069756510e+00, v27  }
0xfd: {  	v8 =	vshrl.u32 v8, $0x17;
	v16 =	vmul.f32 v22, v16;
	v17 =	vmul.f32 v17, v18  }
0xfe: {  	v9 =	vshrl.u32 v9, $0x17;
	v18 =	vmul.f32 v23, v19;
	v19 =	vmul.f32 v24, v21  }
0xff: {  	v10 =	vshrl.u32 v10, $0x17;
	v11 =	vshrl.u32 v11, $0x17;
	v21 =	vmul.f32 v25, v26  }
0x100: {  	v14 =	vadd.s32 $0xFFFFFF81, v14;
	v12 =	vshrl.u32 v12, $0x17;
	v15 =	vshrl.u32 v15, $0x17  }
0x101: {  	v8 =	vadd.s32 $0xFFFFFF81, v8;
	v9 =	vadd.s32 $0xFFFFFF81, v9;
	v10 =	vadd.s32 $0xFFFFFF81, v10  }
0x102: {  	v11 =	vadd.s32 $0xFFFFFF81, v11;
	v12 =	vadd.s32 $0xFFFFFF81, v12;
	v15 =	vadd.s32 $0xFFFFFF81, v15  }
0x103: {  	v14 =	vcvt.s32.f32 v14;
	v20 =	vadd.f32 $-2.794153690e+00, v20;
	v13 =	vadd.f32 $-2.794153690e+00, v13  }
0x104: {  	v8 =	vcvt.s32.f32 v8;
	v22 =	vadd.f32 $-2.794153690e+00, v16;
	v17 =	vadd.f32 $-2.794153690e+00, v17  }
0x105: {  	v9 =	vcvt.s32.f32 v9;
	v23 =	vadd.f32 $-2.794153690e+00, v18;
	v24 =	vadd.f32 $-2.794153690e+00, v19  }
0x106: {  	v10 =	vcvt.s32.f32 v10;
	v25 =	vcvt.s32.f32 v11;
	v21 =	vadd.f32 $-2.794153690e+00, v21  }
.Ltmp1:
0x107: {  	v12 =	vcvt.s32.f32 v12;
	v16 =	vadd.f32 v14, v13;
	v14 =	vcvt.s32.f32 v15;
	(pc) =	sbr.rel @p1 .LBB2_5-.Ltmp1, $4  }
0x108: {  	v20 =	vadd.f32 v8, v20;
	v13 =	vand.u32 $0x80000000, v7;
	v18 =	vadd.f32 v9, v22  }
0x109: {  	v11 =	vand.u32 $0x80000000, v6;
	v19 =	vadd.f32 v10, v17;
	v15 =	vadd.f32 v25, v23  }
0x10a: {  	v10 =	vand.u32 $0x80000000, v1;
	v17 =	vadd.f32 v12, v24;
	v14 =	vadd.f32 v14, v21  }
0x10b: {  	s17 =	sadd.s32 $0x80, s17;
	v8 =	vand.u32 $0x80000000, v4;
	v9 =	vand.u32 $0x80000000, v5;
	v12 =	vand.u32 $0x80000000, v2  }
0x10c: {  	v16 =	vmul.f32 $6.931471820e-01, v16  }
0x10d: {  	v20 =	vmul.f32 $6.931471820e-01, v20  }
0x10e: {  	v18 =	vmul.f32 $6.931471820e-01, v18;
	[tilespmem:s31+$0xFFFFFFC0] =	vst v16  }
0x10f: {  	v57 =	vmul.f32 $6.931471820e-01, v19;
	[tilespmem:s31+$0xFFFFFFD0] =	vst v20  }
0x110: {  	v15 =	vmul.f32 $6.931471820e-01, v15;
	[tilespmem:s31+$0xFFFFFFE0] =	vst v18  }
0x111: {  	v17 =	vmul.f32 $6.931471820e-01, v17;
	[tilespmem:s31+$0xFFFFFFF0] =	vst v57  }
0x112: {  	v14 =	vmul.f32 $6.931471820e-01, v14;
	[tilespmem:s31+$0x0] =	vst v15  }
0x113: {  	v58 =	vand.u32 $0x80000000, v3;
	v13 =	vor.u32 v13, v0;
	vm0 =	veq.f32 v7, $0.0e+00;
	[tilespmem:s31+$0x10] =	vst v17  }
0x114: {  	v59 =	vor.u32 v11, v0;
	vm1 =	veq.f32 v6, $0.0e+00;
	v60 =	vsel vm0, $0x0, v13;
	[tilespmem:s31+$0x20] =	vst v14  }
0x115: {  	v10 =	vor.u32 v10, v0;
	vm11 =	veq.f32 v1, $0.0e+00;
	v1 =	vsel vm1, $0x0, v59;
	[tilespmem:s30+$0xFFFFFFC0] =	vst v60  }
0x116: {  	v61 =	vor.u32 v12, v0;
	vm12 =	veq.f32 v2, $0.0e+00;
	v2 =	vsel vm11, $0x0, v10;
	[tilespmem:s30+$0xFFFFFFD0] =	vst v1  }
0x117: {  	vm13 =	veq.f32 v5, $0.0e+00;
	s0 =	sshll.u32 s26, $0xF;
	v62 =	vsel vm12, $0x0, v61;
	v1 =	vor.u32 v9, v0;
	[tilespmem:s30+$0xFFFFFFE0] =	vst v2  }
0x118: {  	vm14 =	veq.f32 v4, $0.0e+00;
	s0 =	sor.u32 s25, s0;
	v2 =	vor.u32 v8, v0;
	[tilespmem:s30+$0xFFFFFFF0] =	vst v62;
	v1 =	vsel vm13, $0x0, v1  }
0x119: {  	vm15 =	veq.f32 v3, $0.0e+00;
	v63 =	vor.u32 v58, v0;
	s0 =	sshrl.u32 s0, $0x3;
	v2 =	vsel vm14, $0x0, v2;
	[tilespmem:s30+$0x0] =	vst v1  }
0x11a: {  	s3 =	sadd.s32 s4, s0;
	v1 =	vsel vm15, $0x0, v63;
	[tilespmem:s30+$0x10] =	vst v2  }
0x11b: {  	s17 =	simm.s32 $0x80;
	s25 =	sadd.s32 $0x100, s29;
	s26 =	sadd.s32 $0x0, s3;
	[tilespmem:s30+$0x20] =	vst v1  }
.LBB2_7:
0x11c: {  	[hbm4b:s26+s6] =	stream.linear.scatter [tilespmem:s29], [sflag:$0x2], $0x80, $0x38;
	[tilespmem:$0x1E700] =	vst v63  }
0x11d: {  	s9 =	smov.u32 s17;
	s29 =	smov.u32 s25;
	p1 =	sne.s32 s17, $0xF80  }
.Ltmp2:
0x11e: {  	s17 =	sadd.s32 $0x80, s17;
	(pc) =	sbr.rel @p1 .LBB2_7-.Ltmp2, $2  }
0x11f: {  	_ =	sdelay $0x2  }
0x120: {  	s25 =	sadd.s32 $0x100, s25;
	s26 =	sadd.s32 s9, s3  }
0x121: {  	[hbm4b:s26+s6] =	stream.linear.scatter [tilespmem:s29], [sflag:$0x2], $0x80, $0x38;
	[tilespmem:$0x1E700] =	vst v63  }
0x122: {  	s0 =	sadd.s32 s5, s0  }
0x123: {  	s3 =	simm.s32 $0x80;
	s17 =	sadd.s32 $0x100, s28;
	s25 =	sadd.s32 $0x0, s0  }
.LBB2_9:
0x124: {  	[hbm4b:s25+s6] =	stream.linear.scatter [tilespmem:s28], [sflag:$0x2], $0x80, $0x38;
	[tilespmem:$0x1E700] =	vst v63  }
0x125: {  	s9 =	smov.u32 s3;
	s28 =	smov.u32 s17;
	p1 =	sne.s32 s3, $0xF80  }
.Ltmp3:
0x126: {  	s3 =	sadd.s32 $0x80, s3;
	(pc) =	sbr.rel @p1 .LBB2_9-.Ltmp3, $2  }
0x127: {  	_ =	sdelay $0x2  }
0x128: {  	s17 =	sadd.s32 $0x100, s17;
	s25 =	sadd.s32 s9, s0  }
0x129: {  	[hbm4b:s25+s6] =	stream.linear.scatter [tilespmem:s28], [sflag:$0x2], $0x80, $0x38;
	[tilespmem:$0x1E700] =	vst v63  }
0x12a: {  	s0 =	sadd.s32 $0x1, s24  }
0x12b: {  	s0 =	sshrl.u32 s0, $0x4  }
0x12c: {  	p1 =	seq.s32 s0, s23  }
0x12d: {  	s3 =	smin.u32 @!p1 s0, $0x19  }
0x12e: {  	s22 =	sadd.s32 $0x1, s22;
	s9 =	sshll.u32 @!p1 s3, $0x4  }
0x12f: {  	p2 =	sne.s32 s22, $0xD;
	s3 =	sshll.u32 @!p1 s3, $0x9;
	s9 =	sand.u32 @!p1 $0x70, s9  }
0x130: {  	s17 =	simm.s32 @!p1 $0x400;
	s3 =	sand.u32 @!p1 $0x3000, s3;
	s9 =	sadd.s32 @!p1 s1, s9  }
0x131: {  	s23 =	simm.s32 @!p1 $0x0;
	s3 =	sadd.s32 @!p1 s3, s9;
	s9 =	simm.s32 @!p1 $0x80  }
0x132: {  	[tilespmem:s23], [sflag:$0x3] =	stream.strided.gather @!p1 [hbm4b:s3+s9], $0x1000, s17, s9, $0x38;
	[tilespmem:$0x1E700] =	vst v63  }
.Ltmp4:
0x133: {  	_ = 	snop;
	(pc) =	sbr.rel @p2 .LBB2_2-.Ltmp4, $4  }
0x134: {  	s3 =	simm.s32 @!p1 $0x3  }
0x135: {  	_ =	swait.ge @!p1 [sflag:s3], $0x1000  }
0x136: {  	[sflag:s3] =	ssyncset.done @!p1 $0x0  }
0x137: {  	p0 =	por !p0, !p0;
	s23 =	smov.u32 s0;
	[sflag:s3] =	ssyncadd.s32 @!p1 $0xFFFFF000  }
0x138: {  	_ =	swait.ge [sflag:s20], $0x1000  }
0x139: {  	[sflag:s20] =	ssyncset.done $0x0  }
0x13a: {  	[sflag:s20] =	ssyncadd.s32 $0xFFFFF000  }
0x13b: {  	_ =	swait.ge [sflag:s20], $0x1000  }
0x13c: {  	[sflag:s20] =	ssyncset.done $0x0  }
0x13d: {  	s21 =	sadd.s32 $0x1, s21;
	[sflag:s20] =	ssyncadd.s32 $0xFFFFF000  }
0x13e: {  	p0 =	sne.s32 s21, s11;
	_ =	swait.ge [sflag:s20], $0x1000  }
.Ltmp5:
0x13f: {  	[sflag:s20] =	ssyncset.done $0x0;
	(pc) =	sbr.rel @p0 .LBB2_1-.Ltmp5, $4  }
0x140: {  	[sflag:s20] =	ssyncadd.s32 $0xFFFFF000  }
0x141: {  	_ =	swait.ge [sflag:s20], $0x1000  }
0x142: {  	[sflag:s20] =	ssyncset.done $0x0  }
0x143: {  	[sflag:s20] =	ssyncadd.s32 $0xFFFFF000  }
0x144: {  	_ =	sfence.sel $0x180000  }
0x145: {  	[bflag:$0x0] =	sbarrier.arrive $0xFFFF  }
0x146: {  	_ =	strace $0x90000047  }
0x147: {  	s0 =	stileid.u32;
	[bflag:$0x2] =	sbarrier.arrive $0xFFFF  }
0x148: {  	p0 =	sne.s32 s0, $0x0;
	s0 =	rddreg [dreg:$0x4]  }
0x149: {  	s0 =	sadd.s32 @!p0 $0x100000, s0  }
0x14a: {  	[sflag:s0] =	ssyncadd.tile.s32 @!p0 $0x1;
	_ =	shalt  }
.Lfunc_end2:
_tile_overlayer_lowered:
.L_overlay_start_2:
0x14b: {  	(tag) =	ssettag $0x2  }
0x14c: {  	s0 =	rddreg [dreg:$0x0];
	s2 =	stileid.u32  }
0x14d: {  	s1 =	rddreg [dreg:$0x1];
	p0 =	sne.s32 s2, $0x0  }
0x14e: {  	s3 =	rddreg [dreg:$0x2];
	[bflag:$0x3] =	sbarrier.arrive $0xFFFF;
	s2 =	simm.s32 @!p0 $0x1C03  }
0x14f: {  	[timem:s3], [sflag:s2] =	dma.local @!p0 [hbm:s0], s1  }
0x150: {  	s0 =	simm.s32 @!p0 $0x3  }
0x151: {  	_ =	swait.ge @!p0 [sflag:s0], s1  }
0x152: {  	s1 =	ssub.s32 @!p0 $0x0, s1;
	[sflag:s0] =	ssyncset.done @!p0 $0x0  }
0x153: {  	[sflag:s0] =	ssyncadd.s32 @!p0 s1  }
0x154: {  	[bflag:$0x3] =	sbarrier.arrive $0xFFFF  }
0x155: {  	_ =	shalt  }

</sc_bundles>
